<compile_context>
chip_gen: v7x
topology: tpu7x:2x2x1
jax: 0.10.2.dev20260603
libtpu: 0.0.44.dev20260713+nightly
codegen_flags: <defaults>
</compile_context>

<pallas_src>
import functools

import jax
import jax.numpy as jnp
from jax import lax
from jax.experimental import pallas as pl
from jax.experimental.pallas import tpu as pltpu
from jax.experimental.pallas import tpu_sc as plsc

N_NODES = 10000
N_EDGES = 320000
F = 128
HIDDEN = 128
NUM_CLASSES = 64
COEF = 7
SPLINE_ORDER = 3
GRID_SIZE = 4

NC = 2
NS = 16
NW = NC * NS
EPW = N_EDGES // NW
CH = 80
NCH = EPW // CH
ROWS_PER_SUB = 624
ROWS_TAIL_OFF = NS * ROWS_PER_SUB
ROWS_TAIL = N_NODES - ROWS_TAIL_OFF


def _sc_segsum(vals, src, dst3, zeros):
    mesh = plsc.VectorSubcoreMesh(core_axis_name="c", subcore_axis_name="s")

    @functools.partial(
        pl.kernel,
        out_type=jax.ShapeDtypeStruct((NC, N_NODES, F), jnp.float32),
        mesh=mesh,
        scratch_types=[
            pltpu.VMEM((EPW,), jnp.int32),
            pltpu.VMEM((NCH, CH), jnp.int32),
            pltpu.VMEM((CH, F), jnp.float32),
            pltpu.VMEM((CH, F), jnp.float32),
            pltpu.VMEM_SHARED((N_NODES, F), jnp.float32),
            pltpu.SemaphoreType.DMA,
            pltpu.SemaphoreType.DMA,
            pltpu.SemaphoreType.DMA,
        ],
    )
    def seg_kernel(vals_hbm, src_hbm, dst_hbm, zeros_hbm, out_hbm,
                   srcv, dstv, bufa, bufb, acc, sema, semb, semi):
        cid = lax.axis_index("c")
        sid = lax.axis_index("s")
        wid = sid * NC + cid
        base = wid * EPW
        cp_src = pltpu.async_copy(src_hbm.at[pl.ds(base, EPW)], srcv, semi)
        pltpu.sync_copy(dst_hbm.at[wid], dstv)
        pltpu.sync_copy(zeros_hbm.at[pl.ds(sid * ROWS_PER_SUB, ROWS_PER_SUB)],
                        acc.at[pl.ds(sid * ROWS_PER_SUB, ROWS_PER_SUB)])

        @pl.when(sid == NS - 1)
        def _zero_tail():
            pltpu.sync_copy(zeros_hbm.at[pl.ds(ROWS_TAIL_OFF, ROWS_TAIL)],
                            acc.at[pl.ds(ROWS_TAIL_OFF, ROWS_TAIL)])

        cp_src.wait()
        plsc.subcore_barrier()

        def gather(c, buf, sem):
            return pltpu.async_copy(vals_hbm.at[srcv.at[pl.ds(c * CH, CH)]],
                                    buf, sem)

        gather(0, bufa, sema)

        def pair(p, carry):
            c0 = 2 * p
            gather(c0 + 1, bufb, semb)
            pltpu.make_async_copy(vals_hbm.at[pl.ds(0, CH)], bufa, sema).wait()
            pltpu.sync_copy(bufa, acc.at[dstv.at[c0]], add=True)
            gather(c0 + 2, bufa, sema)
            pltpu.make_async_copy(vals_hbm.at[pl.ds(0, CH)], bufb, semb).wait()
            pltpu.sync_copy(bufb, acc.at[dstv.at[c0 + 1]], add=True)
            return carry

        lax.fori_loop(0, (NCH - 1) // 2, pair, 0)
        pltpu.make_async_copy(vals_hbm.at[pl.ds(0, CH)], bufa, sema).wait()
        pltpu.sync_copy(bufa, acc.at[dstv.at[NCH - 1]], add=True)
        plsc.subcore_barrier()
        pltpu.sync_copy(acc.at[pl.ds(sid * ROWS_PER_SUB, ROWS_PER_SUB)],
                        out_hbm.at[cid, pl.ds(sid * ROWS_PER_SUB, ROWS_PER_SUB)])

        @pl.when(sid == NS - 1)
        def _out_tail():
            pltpu.sync_copy(acc.at[pl.ds(ROWS_TAIL_OFF, ROWS_TAIL)],
                            out_hbm.at[cid, pl.ds(ROWS_TAIL_OFF, ROWS_TAIL)])

    return seg_kernel(vals, src, dst3, zeros)


BT = 2000


def _bspline_bases(z):
    nt = GRID_SIZE + 2 * SPLINE_ORDER + 1
    t = [0.5 * i - 2.5 for i in range(nt)]
    d = [z - ti for ti in t]
    s = [(z >= ti).astype(z.dtype) for ti in t]
    b = [s[i] - s[i + 1] for i in range(nt - 1)]
    for j in range(1, SPLINE_ORDER + 1):
        inv = 1.0 / (0.5 * j)
        b = [(d[i] * b[i] - d[i + j + 1] * b[i + 1]) * inv
             for i in range(len(b) - 1)]
    return b


def _silu(z):
    return z * (1.0 / (1.0 + jnp.exp(-z)))


def _kan1_body(x_ref, p_ref, bwt_ref, sw_ref, z_ref, h_ref):
    z = x_ref[...] + p_ref[0] + p_ref[1]
    z_ref[...] = z
    acc = jnp.dot(_silu(z), bwt_ref[...], preferred_element_type=jnp.float32)
    for c, bc in enumerate(_bspline_bases(z)):
        acc += jnp.dot(bc, sw_ref[c], preferred_element_type=jnp.float32)
    h_ref[...] = acc


def _kan1(x, p, bwt, sw):
    grid = (N_NODES // BT,)
    return pl.pallas_call(
        _kan1_body,
        grid=grid,
        in_specs=[
            pl.BlockSpec((BT, F), lambda i: (i, 0)),
            pl.BlockSpec((NC, BT, F), lambda i: (0, i, 0)),
            pl.BlockSpec((F, HIDDEN), lambda i: (0, 0)),
            pl.BlockSpec((COEF, F, HIDDEN), lambda i: (0, 0, 0)),
        ],
        out_specs=[
            pl.BlockSpec((BT, F), lambda i: (i, 0)),
            pl.BlockSpec((BT, HIDDEN), lambda i: (i, 0)),
        ],
        out_shape=[
            jax.ShapeDtypeStruct((N_NODES, F), jnp.float32),
            jax.ShapeDtypeStruct((N_NODES, HIDDEN), jnp.float32),
        ],
    )(x, p, bwt, sw)


def _kan2_body(z1_ref, h1_ref, q_ref, bwta_ref, bwtb_ref, swa_ref, swb_ref,
               o_ref):
    z1 = z1_ref[...]
    h2 = h1_ref[...] + q_ref[0] + q_ref[1]
    acc = jnp.dot(_silu(z1), bwta_ref[...], preferred_element_type=jnp.float32)
    acc += jnp.dot(_silu(h2), bwtb_ref[...], preferred_element_type=jnp.float32)
    for c, bc in enumerate(_bspline_bases(z1)):
        acc += jnp.dot(bc, swa_ref[c], preferred_element_type=jnp.float32)
    for c, bc in enumerate(_bspline_bases(h2)):
        acc += jnp.dot(bc, swb_ref[c], preferred_element_type=jnp.float32)
    o_ref[...] = acc


def _kan2(z1, h1, q, bwta, bwtb, swa, swb):
    grid = (N_NODES // BT,)
    return pl.pallas_call(
        _kan2_body,
        grid=grid,
        in_specs=[
            pl.BlockSpec((BT, F), lambda i: (i, 0)),
            pl.BlockSpec((BT, HIDDEN), lambda i: (i, 0)),
            pl.BlockSpec((NC, BT, HIDDEN), lambda i: (0, i, 0)),
            pl.BlockSpec((F, NUM_CLASSES), lambda i: (0, 0)),
            pl.BlockSpec((HIDDEN, NUM_CLASSES), lambda i: (0, 0)),
            pl.BlockSpec((COEF, F, NUM_CLASSES), lambda i: (0, 0, 0)),
            pl.BlockSpec((COEF, HIDDEN, NUM_CLASSES), lambda i: (0, 0, 0)),
        ],
        out_specs=pl.BlockSpec((BT, NUM_CLASSES), lambda i: (i, 0)),
        out_shape=jax.ShapeDtypeStruct((N_NODES, NUM_CLASSES), jnp.float32),
    )(z1, h1, q, bwta, bwtb, swa, swb)


def kernel(x, edge_index, base_w1, spline_w1, scaler1,
           base_w2, spline_w2, scaler2):
    src = edge_index[0]
    dst3 = edge_index[1].reshape(NW, NCH, CH)
    zeros = jnp.zeros((N_NODES, F), jnp.float32)

    bwt1 = base_w1.T
    sw1 = (spline_w1 * scaler1[:, :, None]).transpose(2, 1, 0)
    bwt2a = base_w2[:, :F].T
    bwt2b = base_w2[:, F:].T
    sw2 = (spline_w2 * scaler2[:, :, None]).transpose(2, 1, 0)
    sw2a = sw2[:, :F, :]
    sw2b = sw2[:, F:, :]

    p = _sc_segsum(x, src, dst3, zeros)
    z1, h1 = _kan1(x, p, bwt1, sw1)
    q = _sc_segsum(h1, src, dst3, zeros)
    return _kan2(z1, h1, q, bwt2a, bwt2b, sw2a, sw2b)

# --- scband reference (transcript-rebuilt; emitter-appended) ---
"""Pipeline reference for scband-gkan-nodes-2173253452198 (READ-ONLY COPY).

The authoritative reference and input builder live on the scoring server;
editing this copy changes nothing except your own understanding.
"""

import jax, jax.numpy as jnp
import numpy as np

GRID_SIZE = 4
SPLINE_ORDER = 3
N_NODES = 10000
N_EDGES = 320000
NUM_FEATURES = 128
HIDDEN = 128
NUM_CLASSES = 64
COEF = GRID_SIZE + SPLINE_ORDER  # 7


def make_grid(in_feat):
    h = 2.0 / GRID_SIZE
    g = (jnp.arange(-SPLINE_ORDER, GRID_SIZE + SPLINE_ORDER + 1, dtype=jnp.float32) * h) - 1.0
    return jnp.tile(g[None, :], (in_feat, 1))


def b_splines(x, grid):
    # x: [B, in], grid: [in, G+2k+1] -> [B, in, G+k]  (efficient-kan recursion)
    xe = x[:, :, None]
    g = grid[None, :, :]
    bases = ((xe >= g[:, :, :-1]) & (xe < g[:, :, 1:])).astype(x.dtype)
    for j in range(1, SPLINE_ORDER + 1):
        bases = ((xe - g[:, :, : -(j + 1)]) / (g[:, :, j:-1] - g[:, :, : -(j + 1)]) * bases[:, :, :-1]) \
              + ((g[:, :, j + 1:] - xe) / (g[:, :, j + 1:] - g[:, :, 1:-j]) * bases[:, :, 1:])
    return bases


def kan_linear(x, base_w, spline_w, scaler, grid):
    base_out = jax.nn.silu(x) @ base_w.T
    sw = spline_w * scaler[:, :, None]
    bs = b_splines(x, grid).reshape(x.shape[0], -1)
    spline_out = bs @ sw.reshape(sw.shape[0], -1).T
    return base_out + spline_out


def setup_inputs(seed: int = 0):
    key = jax.random.key(seed)
    ks = jax.random.split(key, 8)
    x = jax.random.normal(ks[0], (N_NODES, NUM_FEATURES), dtype=jnp.float32)
    edge_index = jax.random.randint(ks[1], (2, N_EDGES), 0, N_NODES, dtype=jnp.int32)
    in2 = NUM_FEATURES + HIDDEN
    base_w1 = jax.random.normal(ks[2], (HIDDEN, NUM_FEATURES), dtype=jnp.float32) * (1.0 / np.sqrt(NUM_FEATURES))
    spline_w1 = jax.random.normal(ks[3], (HIDDEN, NUM_FEATURES, COEF), dtype=jnp.float32) * 0.1
    scaler1 = jax.random.normal(ks[4], (HIDDEN, NUM_FEATURES), dtype=jnp.float32) * (1.0 / np.sqrt(NUM_FEATURES))
    base_w2 = jax.random.normal(ks[5], (NUM_CLASSES, in2), dtype=jnp.float32) * (1.0 / np.sqrt(in2))
    spline_w2 = jax.random.normal(ks[6], (NUM_CLASSES, in2, COEF), dtype=jnp.float32) * 0.1
    scaler2 = jax.random.normal(ks[7], (NUM_CLASSES, in2), dtype=jnp.float32) * (1.0 / np.sqrt(in2))
    return {"x": x, "edge_index": edge_index,
            "base_w1": base_w1, "spline_w1": spline_w1, "scaler1": scaler1,
            "base_w2": base_w2, "spline_w2": spline_w2, "scaler2": scaler2}


def reference(x, edge_index, base_w1, spline_w1, scaler1, base_w2, spline_w2, scaler2):
    # GKAN_Nodes with conv_type='gin', num_layers=2, skip=True.
    # GINConv (eps=0): h_i = KAN(x_i + sum_{j->i} x_j)
    src = edge_index[0]
    dst = edge_index[1]
    grid1 = make_grid(NUM_FEATURES)
    grid2 = make_grid(NUM_FEATURES + HIDDEN)
    agg1 = jax.ops.segment_sum(x[src], dst, num_segments=N_NODES)
    h1 = kan_linear(x + agg1, base_w1, spline_w1, scaler1, grid1)
    cat = jnp.concatenate([x, h1], axis=1)  # skip connection concat
    agg2 = jax.ops.segment_sum(cat[src], dst, num_segments=N_NODES)
    out = kan_linear(cat + agg2, base_w2, spline_w2, scaler2, grid2)
    return out

if __name__ == "__main__":
    import jax
    _d = setup_inputs()
    print(jax.jit(kernel)(*tuple(_d.values())))

</pallas_src>

<mosaic_0001>
#map = affine_map<(d0, d1) -> (0, 0)>
#map1 = affine_map<(d0, d1) -> (0)>
#map2 = affine_map<(d0, d1) -> (0, 0, 0)>
module attributes {stable_mosaic.version = 14 : i64} {
  func.func @seg_kernel(%arg0: i32, %arg1: i32, %arg2: memref<10000x128xf32, #tpu.memory_space<hbm>>, %arg3: memref<320000xi32, #tpu.memory_space<hbm>>, %arg4: memref<32x125x80xi32, #tpu.memory_space<hbm>>, %arg5: memref<10000x128xf32, #tpu.memory_space<hbm>>, %arg6: memref<2x10000x128xf32, #tpu.memory_space<hbm>>, %arg7: memref<10000xi32, #tpu.memory_space<vmem>>, %arg8: memref<125x80xi32, #tpu.memory_space<vmem>>, %arg9: memref<80x128xf32, #tpu.memory_space<vmem>>, %arg10: memref<80x128xf32, #tpu.memory_space<vmem>>, %arg11: memref<10000x128xf32, #tpu.memory_space<vmem_shared>>, %arg12: memref<!tpu.dma_semaphore, #tpu.memory_space<semaphore_mem>>, %arg13: memref<!tpu.dma_semaphore, #tpu.memory_space<semaphore_mem>>, %arg14: memref<!tpu.dma_semaphore, #tpu.memory_space<semaphore_mem>>) attributes {dimension_semantics = [#tpu.dimension_semantics<core_parallel>, #tpu.dimension_semantics<subcore_parallel>], iteration_bounds = array<i64: 2, 16>, scalar_prefetch = 0 : i64, scratch_operands = 8 : i64, tpu.core_type = #tpu.core_type<sc_vector_subcore>, window_params = [{transform_indices = #map}, {transform_indices = #map1}, {transform_indices = #map2}, {transform_indices = #map}, {transform_indices = #map2}]} {
    %mul3A = arith.constant 2 : i32
    %mul3A_0 = arith.muli %arg1, %mul3A : i32
    %add3A = arith.addi %mul3A_0, %arg0 : i32
    %mul3A_1 = arith.constant 10000 : i32
    %mul3A_2 = arith.muli %add3A, %mul3A_1 : i32
    %dma_start3A = tpu.memref_slice %arg3[%mul3A_2] : memref<320000xi32, #tpu.memory_space<hbm>> -> memref<10000xi32, #tpu.memory_space<hbm>>
    %dma_start3A_3 = tpu.memref_slice %arg3[%mul3A_2] : memref<320000xi32, #tpu.memory_space<hbm>> -> memref<10000xi32, #tpu.memory_space<hbm>>
    tpu.enqueue_dma source(%dma_start3A_3 : memref<10000xi32, #tpu.memory_space<hbm>>) target(%arg7 : memref<10000xi32, #tpu.memory_space<vmem>>) target_semaphore(%arg14 : memref<!tpu.dma_semaphore, #tpu.memory_space<semaphore_mem>>)
    "tpu.region"() ({
      %run_scoped3A_37 = tpu.sem_alloc : memref<!tpu.dma_semaphore, #tpu.memory_space<semaphore_mem>>
      %dma_start3A_38 = arith.constant 0 : i32
      %dma_start3A_39 = arith.constant 0 : i32
      %dma_start3A_40 = tpu.memref_slice %arg4[%add3A, %dma_start3A_38, %dma_start3A_39] : memref<32x125x80xi32, #tpu.memory_space<hbm>> -> memref<1x125x80xi32, #tpu.memory_space<hbm>>
      %dma_start3A_41 = tpu.memref_squeeze %dma_start3A_40 : memref<1x125x80xi32, #tpu.memory_space<hbm>> -> memref<125x80xi32, #tpu.memory_space<hbm>>
      %dma_start3A_42 = arith.constant 0 : i32
      %dma_start3A_43 = arith.constant 0 : i32
      %dma_start3A_44 = tpu.memref_slice %arg4[%add3A, %dma_start3A_42, %dma_start3A_43] : memref<32x125x80xi32, #tpu.memory_space<hbm>> -> memref<1x125x80xi32, #tpu.memory_space<hbm>>
      %dma_start3A_45 = tpu.memref_squeeze %dma_start3A_44 : memref<1x125x80xi32, #tpu.memory_space<hbm>> -> memref<125x80xi32, #tpu.memory_space<hbm>>
      tpu.enqueue_dma source(%dma_start3A_45 : memref<125x80xi32, #tpu.memory_space<hbm>>) target(%arg8 : memref<125x80xi32, #tpu.memory_space<vmem>>) target_semaphore(%run_scoped3A_37 : memref<!tpu.dma_semaphore, #tpu.memory_space<semaphore_mem>>)
      %dma_wait3A_46 = arith.constant 0 : i32
      %dma_wait3A_47 = arith.constant 0 : i32
      %dma_wait3A_48 = tpu.memref_slice %arg4[%add3A, %dma_wait3A_46, %dma_wait3A_47] : memref<32x125x80xi32, #tpu.memory_space<hbm>> -> memref<1x125x80xi32, #tpu.memory_space<hbm>>
      %dma_wait3A_49 = tpu.memref_squeeze %dma_wait3A_48 : memref<1x125x80xi32, #tpu.memory_space<hbm>> -> memref<125x80xi32, #tpu.memory_space<hbm>>
      %dma_wait3A_50 = arith.constant 0 : i32
      %dma_wait3A_51 = arith.constant 0 : i32
      %dma_wait3A_52 = tpu.memref_slice %arg4[%add3A, %dma_wait3A_50, %dma_wait3A_51] : memref<32x125x80xi32, #tpu.memory_space<hbm>> -> memref<1x125x80xi32, #tpu.memory_space<hbm>>
      %dma_wait3A_53 = tpu.memref_squeeze %dma_wait3A_52 : memref<1x125x80xi32, #tpu.memory_space<hbm>> -> memref<125x80xi32, #tpu.memory_space<hbm>>
      tpu.wait_dma2 semaphore(%run_scoped3A_37 : memref<!tpu.dma_semaphore, #tpu.memory_space<semaphore_mem>>) src(%dma_wait3A_53 : memref<125x80xi32, #tpu.memory_space<hbm>>) dst(%arg8 : memref<125x80xi32, #tpu.memory_space<vmem>>)
      tpu.yield
    }) : () -> ()
    %mul3A_4 = arith.constant 624 : i32
    %mul3A_5 = arith.muli %arg1, %mul3A_4 : i32
    %mul3A_6 = arith.constant 624 : i32
    %mul3A_7 = arith.muli %arg1, %mul3A_6 : i32
    "tpu.region"() ({
      %run_scoped3A_37 = tpu.sem_alloc : memref<!tpu.dma_semaphore, #tpu.memory_space<semaphore_mem>>
      %dma_start3A_38 = arith.constant 0 : i32
      %dma_start3A_39 = tpu.memref_slice %arg11[%mul3A_7, %dma_start3A_38] : memref<10000x128xf32, #tpu.memory_space<vmem_shared>> -> memref<624x128xf32, #tpu.memory_space<vmem_shared>>
      %dma_start3A_40 = arith.constant 0 : i32
      %dma_start3A_41 = tpu.memref_slice %arg5[%mul3A_5, %dma_start3A_40] : memref<10000x128xf32, #tpu.memory_space<hbm>> -> memref<624x128xf32, #tpu.memory_space<hbm>>
      tpu.enqueue_dma source(%dma_start3A_41 : memref<624x128xf32, #tpu.memory_space<hbm>>) target(%dma_start3A_39 : memref<624x128xf32, #tpu.memory_space<vmem_shared>>) target_semaphore(%run_scoped3A_37 : memref<!tpu.dma_semaphore, #tpu.memory_space<semaphore_mem>>)
      %dma_wait3A_42 = arith.constant 0 : i32
      %dma_wait3A_43 = tpu.memref_slice %arg11[%mul3A_7, %dma_wait3A_42] : memref<10000x128xf32, #tpu.memory_space<vmem_shared>> -> memref<624x128xf32, #tpu.memory_space<vmem_shared>>
      %dma_wait3A_44 = arith.constant 0 : i32
      %dma_wait3A_45 = tpu.memref_slice %arg5[%mul3A_5, %dma_wait3A_44] : memref<10000x128xf32, #tpu.memory_space<hbm>> -> memref<624x128xf32, #tpu.memory_space<hbm>>
      tpu.wait_dma2 semaphore(%run_scoped3A_37 : memref<!tpu.dma_semaphore, #tpu.memory_space<semaphore_mem>>) src(%dma_wait3A_45 : memref<624x128xf32, #tpu.memory_space<hbm>>) dst(%dma_wait3A_43 : memref<624x128xf32, #tpu.memory_space<vmem_shared>>)
      tpu.yield
    }) : () -> ()
    %eq3A = arith.constant 15 : i32
    %eq3A_8 = arith.cmpi eq, %arg1, %eq3A : i32
    %convert_element_type3A = arith.extui %eq3A_8 : i1 to i32
    %cond3A = arith.constant 0 : i32
    %cond3A_9 = arith.cmpi ne, %convert_element_type3A, %cond3A : i32
    scf.if %cond3A_9 {
      "tpu.region"() ({
        %run_scoped3A_37 = tpu.sem_alloc : memref<!tpu.dma_semaphore, #tpu.memory_space<semaphore_mem>>
        %dma_start3A_38 = arith.constant 9984 : i32
        %dma_start3A_39 = arith.constant 0 : i32
        %dma_start3A_40 = tpu.memref_slice %arg11[%dma_start3A_38, %dma_start3A_39] : memref<10000x128xf32, #tpu.memory_space<vmem_shared>> -> memref<16x128xf32, #tpu.memory_space<vmem_shared>>
        %dma_start3A_41 = arith.constant 9984 : i32
        %dma_start3A_42 = arith.constant 0 : i32
        %dma_start3A_43 = tpu.memref_slice %arg5[%dma_start3A_41, %dma_start3A_42] : memref<10000x128xf32, #tpu.memory_space<hbm>> -> memref<16x128xf32, #tpu.memory_space<hbm>>
        tpu.enqueue_dma source(%dma_start3A_43 : memref<16x128xf32, #tpu.memory_space<hbm>>) target(%dma_start3A_40 : memref<16x128xf32, #tpu.memory_space<vmem_shared>>) target_semaphore(%run_scoped3A_37 : memref<!tpu.dma_semaphore, #tpu.memory_space<semaphore_mem>>)
        %dma_wait3A_44 = arith.constant 9984 : i32
        %dma_wait3A_45 = arith.constant 0 : i32
        %dma_wait3A_46 = tpu.memref_slice %arg11[%dma_wait3A_44, %dma_wait3A_45] : memref<10000x128xf32, #tpu.memory_space<vmem_shared>> -> memref<16x128xf32, #tpu.memory_space<vmem_shared>>
        %dma_wait3A_47 = arith.constant 9984 : i32
        %dma_wait3A_48 = arith.constant 0 : i32
        %dma_wait3A_49 = tpu.memref_slice %arg5[%dma_wait3A_47, %dma_wait3A_48] : memref<10000x128xf32, #tpu.memory_space<hbm>> -> memref<16x128xf32, #tpu.memory_space<hbm>>
        tpu.wait_dma2 semaphore(%run_scoped3A_37 : memref<!tpu.dma_semaphore, #tpu.memory_space<semaphore_mem>>) src(%dma_wait3A_49 : memref<16x128xf32, #tpu.memory_space<hbm>>) dst(%dma_wait3A_46 : memref<16x128xf32, #tpu.memory_space<vmem_shared>>)
        tpu.yield
      }) : () -> ()
    } else {
    }
    %dma_wait3A = tpu.memref_slice %arg3[%mul3A_2] : memref<320000xi32, #tpu.memory_space<hbm>> -> memref<10000xi32, #tpu.memory_space<hbm>>
    %dma_wait3A_10 = tpu.memref_slice %arg3[%mul3A_2] : memref<320000xi32, #tpu.memory_space<hbm>> -> memref<10000xi32, #tpu.memory_space<hbm>>
    tpu.wait_dma2 semaphore(%arg14 : memref<!tpu.dma_semaphore, #tpu.memory_space<semaphore_mem>>) src(%dma_wait3A_10 : memref<10000xi32, #tpu.memory_space<hbm>>) dst(%arg7 : memref<10000xi32, #tpu.memory_space<vmem>>)
    %barrier3A = arith.constant 0 : index
    tpu.barrier barrier_id(%barrier3A)
    %dma_start3A_11 = arith.constant 0 : i32
    %dma_start3A_12 = tpu.memref_slice %arg7[%dma_start3A_11] : memref<10000xi32, #tpu.memory_space<vmem>> -> memref<80xi32, #tpu.memory_space<vmem>>
    %dma_start3A_13 = arith.constant 0 : i32
    %dma_start3A_14 = arith.constant 0 : i32
    %dma_start3A_15 = tpu.memref_slice %arg2[%dma_start3A_13, %dma_start3A_14] : memref<10000x128xf32, #tpu.memory_space<hbm>> -> memref<10000x128xf32, #tpu.memory_space<hbm>>
    tpu.enqueue_indirect_dma source(%dma_start3A_15 : memref<10000x128xf32, #tpu.memory_space<hbm>>) target(%arg9 : memref<80x128xf32, #tpu.memory_space<vmem>>) offsets(%dma_start3A_12 : memref<80xi32, #tpu.memory_space<vmem>>) semaphore(%arg12 : memref<!tpu.dma_semaphore, #tpu.memory_space<semaphore_mem>>)
    %scan3A = arith.constant 0 : i32
    %scan3A_16 = arith.constant 0 : i32
    %scan3A_17 = arith.constant 62 : i32
    %scan3A_18 = arith.addi %scan3A_16, %scan3A_17 : i32
    %scan3A_19 = arith.constant 1 : i32
    scf.for %scan3A_37 = %scan3A_16 to %scan3A_18 step %scan3A_19  : i32 {
      %mul3A_38 = arith.constant 2 : i32
      %mul3A_39 = arith.muli %mul3A_38, %scan3A_37 : i32
      %add3A_40 = arith.constant 1 : i32
      %add3A_41 = arith.addi %mul3A_39, %add3A_40 : i32
      %mul3A_42 = arith.constant 80 : i32
      %mul3A_43 = arith.muli %add3A_41, %mul3A_42 : i32
      %dma_start3A_44 = tpu.memref_slice %arg7[%mul3A_43] : memref<10000xi32, #tpu.memory_space<vmem>> -> memref<80xi32, #tpu.memory_space<vmem>>
      %dma_start3A_45 = arith.constant 0 : i32
      %dma_start3A_46 = arith.constant 0 : i32
      %dma_start3A_47 = tpu.memref_slice %arg2[%dma_start3A_45, %dma_start3A_46] : memref<10000x128xf32, #tpu.memory_space<hbm>> -> memref<10000x128xf32, #tpu.memory_space<hbm>>
      tpu.enqueue_indirect_dma source(%dma_start3A_47 : memref<10000x128xf32, #tpu.memory_space<hbm>>) target(%arg10 : memref<80x128xf32, #tpu.memory_space<vmem>>) offsets(%dma_start3A_44 : memref<80xi32, #tpu.memory_space<vmem>>) semaphore(%arg13 : memref<!tpu.dma_semaphore, #tpu.memory_space<semaphore_mem>>)
      %dma_wait3A_48 = arith.constant 0 : i32
      %dma_wait3A_49 = arith.constant 0 : i32
      %dma_wait3A_50 = tpu.memref_slice %arg2[%dma_wait3A_48, %dma_wait3A_49] : memref<10000x128xf32, #tpu.memory_space<hbm>> -> memref<80x128xf32, #tpu.memory_space<hbm>>
      %dma_wait3A_51 = arith.constant 0 : i32
      %dma_wait3A_52 = arith.constant 0 : i32
      %dma_wait3A_53 = tpu.memref_slice %arg2[%dma_wait3A_51, %dma_wait3A_52] : memref<10000x128xf32, #tpu.memory_space<hbm>> -> memref<80x128xf32, #tpu.memory_space<hbm>>
      tpu.wait_dma2 semaphore(%arg12 : memref<!tpu.dma_semaphore, #tpu.memory_space<semaphore_mem>>) src(%dma_wait3A_53 : memref<80x128xf32, #tpu.memory_space<hbm>>) dst(%arg9 : memref<80x128xf32, #tpu.memory_space<vmem>>)
      "tpu.region"() ({
        %run_scoped3A_70 = tpu.sem_alloc : memref<!tpu.dma_semaphore, #tpu.memory_space<semaphore_mem>>
        %dma_start3A_71 = arith.constant 0 : i32
        %dma_start3A_72 = tpu.memref_slice %arg8[%mul3A_39, %dma_start3A_71] : memref<125x80xi32, #tpu.memory_space<vmem>> -> memref<1x80xi32, #tpu.memory_space<vmem>>
        %dma_start3A_73 = tpu.memref_squeeze %dma_start3A_72 : memref<1x80xi32, #tpu.memory_space<vmem>> -> memref<80xi32, #tpu.memory_space<vmem>>
        %dma_start3A_74 = arith.constant 0 : i32
        %dma_start3A_75 = arith.constant 0 : i32
        %dma_start3A_76 = tpu.memref_slice %arg11[%dma_start3A_74, %dma_start3A_75] : memref<10000x128xf32, #tpu.memory_space<vmem_shared>> -> memref<10000x128xf32, #tpu.memory_space<vmem_shared>>
        tpu.enqueue_indirect_dma source(%arg9 : memref<80x128xf32, #tpu.memory_space<vmem>>) target(%dma_start3A_76 : memref<10000x128xf32, #tpu.memory_space<vmem_shared>>) offsets(%dma_start3A_73 : memref<80xi32, #tpu.memory_space<vmem>>) semaphore(%run_scoped3A_70 : memref<!tpu.dma_semaphore, #tpu.memory_space<semaphore_mem>>) {add = true}
        %dma_wait3A_77 = arith.constant 0 : i32
        %dma_wait3A_78 = tpu.memref_slice %arg8[%mul3A_39, %dma_wait3A_77] : memref<125x80xi32, #tpu.memory_space<vmem>> -> memref<1x80xi32, #tpu.memory_space<vmem>>
        %dma_wait3A_79 = tpu.memref_squeeze %dma_wait3A_78 : memref<1x80xi32, #tpu.memory_space<vmem>> -> memref<80xi32, #tpu.memory_space<vmem>>
        %dma_wait3A_80 = arith.constant 0 : i32
        %dma_wait3A_81 = arith.constant 0 : i32
        %dma_wait3A_82 = tpu.memref_slice %arg11[%dma_wait3A_80, %dma_wait3A_81] : memref<10000x128xf32, #tpu.memory_space<vmem_shared>> -> memref<10000x128xf32, #tpu.memory_space<vmem_shared>>
        tpu.wait_indirect_dma semaphore(%run_scoped3A_70 : memref<!tpu.dma_semaphore, #tpu.memory_space<semaphore_mem>>) src(%arg9 : memref<80x128xf32, #tpu.memory_space<vmem>>) dst(%dma_wait3A_82 : memref<10000x128xf32, #tpu.memory_space<vmem_shared>>)
        tpu.yield
      }) : () -> ()
      %add3A_54 = arith.constant 2 : i32
      %add3A_55 = arith.addi %mul3A_39, %add3A_54 : i32
      %mul3A_56 = arith.constant 80 : i32
      %mul3A_57 = arith.muli %add3A_55, %mul3A_56 : i32
      %dma_start3A_58 = tpu.memref_slice %arg7[%mul3A_57] : memref<10000xi32, #tpu.memory_space<vmem>> -> memref<80xi32, #tpu.memory_space<vmem>>
      %dma_start3A_59 = arith.constant 0 : i32
      %dma_start3A_60 = arith.constant 0 : i32
      %dma_start3A_61 = tpu.memref_slice %arg2[%dma_start3A_59, %dma_start3A_60] : memref<10000x128xf32, #tpu.memory_space<hbm>> -> memref<10000x128xf32, #tpu.memory_space<hbm>>
      tpu.enqueue_indirect_dma source(%dma_start3A_61 : memref<10000x128xf32, #tpu.memory_space<hbm>>) target(%arg9 : memref<80x128xf32, #tpu.memory_space<vmem>>) offsets(%dma_start3A_58 : memref<80xi32, #tpu.memory_space<vmem>>) semaphore(%arg12 : memref<!tpu.dma_semaphore, #tpu.memory_space<semaphore_mem>>)
      %dma_wait3A_62 = arith.constant 0 : i32
      %dma_wait3A_63 = arith.constant 0 : i32
      %dma_wait3A_64 = tpu.memref_slice %arg2[%dma_wait3A_62, %dma_wait3A_63] : memref<10000x128xf32, #tpu.memory_space<hbm>> -> memref<80x128xf32, #tpu.memory_space<hbm>>
      %dma_wait3A_65 = arith.constant 0 : i32
      %dma_wait3A_66 = arith.constant 0 : i32
      %dma_wait3A_67 = tpu.memref_slice %arg2[%dma_wait3A_65, %dma_wait3A_66] : memref<10000x128xf32, #tpu.memory_space<hbm>> -> memref<80x128xf32, #tpu.memory_space<hbm>>
      tpu.wait_dma2 semaphore(%arg13 : memref<!tpu.dma_semaphore, #tpu.memory_space<semaphore_mem>>) src(%dma_wait3A_67 : memref<80x128xf32, #tpu.memory_space<hbm>>) dst(%arg10 : memref<80x128xf32, #tpu.memory_space<vmem>>)
      %add3A_68 = arith.constant 1 : i32
      %add3A_69 = arith.addi %mul3A_39, %add3A_68 : i32
      "tpu.region"() ({
        %run_scoped3A_70 = tpu.sem_alloc : memref<!tpu.dma_semaphore, #tpu.memory_space<semaphore_mem>>
        %dma_start3A_71 = arith.constant 0 : i32
        %dma_start3A_72 = tpu.memref_slice %arg8[%add3A_69, %dma_start3A_71] : memref<125x80xi32, #tpu.memory_space<vmem>> -> memref<1x80xi32, #tpu.memory_space<vmem>>
        %dma_start3A_73 = tpu.memref_squeeze %dma_start3A_72 : memref<1x80xi32, #tpu.memory_space<vmem>> -> memref<80xi32, #tpu.memory_space<vmem>>
        %dma_start3A_74 = arith.constant 0 : i32
        %dma_start3A_75 = arith.constant 0 : i32
        %dma_start3A_76 = tpu.memref_slice %arg11[%dma_start3A_74, %dma_start3A_75] : memref<10000x128xf32, #tpu.memory_space<vmem_shared>> -> memref<10000x128xf32, #tpu.memory_space<vmem_shared>>
        tpu.enqueue_indirect_dma source(%arg10 : memref<80x128xf32, #tpu.memory_space<vmem>>) target(%dma_start3A_76 : memref<10000x128xf32, #tpu.memory_space<vmem_shared>>) offsets(%dma_start3A_73 : memref<80xi32, #tpu.memory_space<vmem>>) semaphore(%run_scoped3A_70 : memref<!tpu.dma_semaphore, #tpu.memory_space<semaphore_mem>>) {add = true}
        %dma_wait3A_77 = arith.constant 0 : i32
        %dma_wait3A_78 = tpu.memref_slice %arg8[%add3A_69, %dma_wait3A_77] : memref<125x80xi32, #tpu.memory_space<vmem>> -> memref<1x80xi32, #tpu.memory_space<vmem>>
        %dma_wait3A_79 = tpu.memref_squeeze %dma_wait3A_78 : memref<1x80xi32, #tpu.memory_space<vmem>> -> memref<80xi32, #tpu.memory_space<vmem>>
        %dma_wait3A_80 = arith.constant 0 : i32
        %dma_wait3A_81 = arith.constant 0 : i32
        %dma_wait3A_82 = tpu.memref_slice %arg11[%dma_wait3A_80, %dma_wait3A_81] : memref<10000x128xf32, #tpu.memory_space<vmem_shared>> -> memref<10000x128xf32, #tpu.memory_space<vmem_shared>>
        tpu.wait_indirect_dma semaphore(%run_scoped3A_70 : memref<!tpu.dma_semaphore, #tpu.memory_space<semaphore_mem>>) src(%arg10 : memref<80x128xf32, #tpu.memory_space<vmem>>) dst(%dma_wait3A_82 : memref<10000x128xf32, #tpu.memory_space<vmem_shared>>)
        tpu.yield
      }) : () -> ()
    }
    %scan3A_20 = arith.constant 62 : i32
    %dma_wait3A_21 = arith.constant 0 : i32
    %dma_wait3A_22 = arith.constant 0 : i32
    %dma_wait3A_23 = tpu.memref_slice %arg2[%dma_wait3A_21, %dma_wait3A_22] : memref<10000x128xf32, #tpu.memory_space<hbm>> -> memref<80x128xf32, #tpu.memory_space<hbm>>
    %dma_wait3A_24 = arith.constant 0 : i32
    %dma_wait3A_25 = arith.constant 0 : i32
    %dma_wait3A_26 = tpu.memref_slice %arg2[%dma_wait3A_24, %dma_wait3A_25] : memref<10000x128xf32, #tpu.memory_space<hbm>> -> memref<80x128xf32, #tpu.memory_space<hbm>>
    tpu.wait_dma2 semaphore(%arg12 : memref<!tpu.dma_semaphore, #tpu.memory_space<semaphore_mem>>) src(%dma_wait3A_26 : memref<80x128xf32, #tpu.memory_space<hbm>>) dst(%arg9 : memref<80x128xf32, #tpu.memory_space<vmem>>)
    %run_scoped3A = arith.constant 124 : i32
    "tpu.region"() ({
      %run_scoped3A_37 = tpu.sem_alloc : memref<!tpu.dma_semaphore, #tpu.memory_space<semaphore_mem>>
      %dma_start3A_38 = arith.constant 0 : i32
      %dma_start3A_39 = tpu.memref_slice %arg8[%run_scoped3A, %dma_start3A_38] : memref<125x80xi32, #tpu.memory_space<vmem>> -> memref<1x80xi32, #tpu.memory_space<vmem>>
      %dma_start3A_40 = tpu.memref_squeeze %dma_start3A_39 : memref<1x80xi32, #tpu.memory_space<vmem>> -> memref<80xi32, #tpu.memory_space<vmem>>
      %dma_start3A_41 = arith.constant 0 : i32
      %dma_start3A_42 = arith.constant 0 : i32
      %dma_start3A_43 = tpu.memref_slice %arg11[%dma_start3A_41, %dma_start3A_42] : memref<10000x128xf32, #tpu.memory_space<vmem_shared>> -> memref<10000x128xf32, #tpu.memory_space<vmem_shared>>
      tpu.enqueue_indirect_dma source(%arg9 : memref<80x128xf32, #tpu.memory_space<vmem>>) target(%dma_start3A_43 : memref<10000x128xf32, #tpu.memory_space<vmem_shared>>) offsets(%dma_start3A_40 : memref<80xi32, #tpu.memory_space<vmem>>) semaphore(%run_scoped3A_37 : memref<!tpu.dma_semaphore, #tpu.memory_space<semaphore_mem>>) {add = true}
      %dma_wait3A_44 = arith.constant 0 : i32
      %dma_wait3A_45 = tpu.memref_slice %arg8[%run_scoped3A, %dma_wait3A_44] : memref<125x80xi32, #tpu.memory_space<vmem>> -> memref<1x80xi32, #tpu.memory_space<vmem>>
      %dma_wait3A_46 = tpu.memref_squeeze %dma_wait3A_45 : memref<1x80xi32, #tpu.memory_space<vmem>> -> memref<80xi32, #tpu.memory_space<vmem>>
      %dma_wait3A_47 = arith.constant 0 : i32
      %dma_wait3A_48 = arith.constant 0 : i32
      %dma_wait3A_49 = tpu.memref_slice %arg11[%dma_wait3A_47, %dma_wait3A_48] : memref<10000x128xf32, #tpu.memory_space<vmem_shared>> -> memref<10000x128xf32, #tpu.memory_space<vmem_shared>>
      tpu.wait_indirect_dma semaphore(%run_scoped3A_37 : memref<!tpu.dma_semaphore, #tpu.memory_space<semaphore_mem>>) src(%arg9 : memref<80x128xf32, #tpu.memory_space<vmem>>) dst(%dma_wait3A_49 : memref<10000x128xf32, #tpu.memory_space<vmem_shared>>)
      tpu.yield
    }) : () -> ()
    %barrier3A_27 = arith.constant 0 : index
    tpu.barrier barrier_id(%barrier3A_27)
    %mul3A_28 = arith.constant 624 : i32
    %mul3A_29 = arith.muli %arg1, %mul3A_28 : i32
    %mul3A_30 = arith.constant 624 : i32
    %mul3A_31 = arith.muli %arg1, %mul3A_30 : i32
    "tpu.region"() ({
      %run_scoped3A_37 = tpu.sem_alloc : memref<!tpu.dma_semaphore, #tpu.memory_space<semaphore_mem>>
      %dma_start3A_38 = arith.constant 0 : i32
      %dma_start3A_39 = tpu.memref_slice %arg6[%arg0, %mul3A_31, %dma_start3A_38] : memref<2x10000x128xf32, #tpu.memory_space<hbm>> -> memref<1x624x128xf32, #tpu.memory_space<hbm>>
      %dma_start3A_40 = tpu.memref_squeeze %dma_start3A_39 : memref<1x624x128xf32, #tpu.memory_space<hbm>> -> memref<624x128xf32, #tpu.memory_space<hbm>>
      %dma_start3A_41 = arith.constant 0 : i32
      %dma_start3A_42 = tpu.memref_slice %arg11[%mul3A_29, %dma_start3A_41] : memref<10000x128xf32, #tpu.memory_space<vmem_shared>> -> memref<624x128xf32, #tpu.memory_space<vmem_shared>>
      tpu.enqueue_dma source(%dma_start3A_42 : memref<624x128xf32, #tpu.memory_space<vmem_shared>>) target(%dma_start3A_40 : memref<624x128xf32, #tpu.memory_space<hbm>>) target_semaphore(%run_scoped3A_37 : memref<!tpu.dma_semaphore, #tpu.memory_space<semaphore_mem>>)
      %dma_wait3A_43 = arith.constant 0 : i32
      %dma_wait3A_44 = tpu.memref_slice %arg6[%arg0, %mul3A_31, %dma_wait3A_43] : memref<2x10000x128xf32, #tpu.memory_space<hbm>> -> memref<1x624x128xf32, #tpu.memory_space<hbm>>
      %dma_wait3A_45 = tpu.memref_squeeze %dma_wait3A_44 : memref<1x624x128xf32, #tpu.memory_space<hbm>> -> memref<624x128xf32, #tpu.memory_space<hbm>>
      %dma_wait3A_46 = arith.constant 0 : i32
      %dma_wait3A_47 = tpu.memref_slice %arg11[%mul3A_29, %dma_wait3A_46] : memref<10000x128xf32, #tpu.memory_space<vmem_shared>> -> memref<624x128xf32, #tpu.memory_space<vmem_shared>>
      tpu.wait_dma2 semaphore(%run_scoped3A_37 : memref<!tpu.dma_semaphore, #tpu.memory_space<semaphore_mem>>) src(%dma_wait3A_47 : memref<624x128xf32, #tpu.memory_space<vmem_shared>>) dst(%dma_wait3A_45 : memref<624x128xf32, #tpu.memory_space<hbm>>)
      tpu.yield
    }) : () -> ()
    %eq3A_32 = arith.constant 15 : i32
    %eq3A_33 = arith.cmpi eq, %arg1, %eq3A_32 : i32
    %convert_element_type3A_34 = arith.extui %eq3A_33 : i1 to i32
    %cond3A_35 = arith.constant 0 : i32
    %cond3A_36 = arith.cmpi ne, %convert_element_type3A_34, %cond3A_35 : i32
    scf.if %cond3A_36 {
      "tpu.region"() ({
        %run_scoped3A_37 = tpu.sem_alloc : memref<!tpu.dma_semaphore, #tpu.memory_space<semaphore_mem>>
        %dma_start3A_38 = arith.constant 9984 : i32
        %dma_start3A_39 = arith.constant 0 : i32
        %dma_start3A_40 = tpu.memref_slice %arg6[%arg0, %dma_start3A_38, %dma_start3A_39] : memref<2x10000x128xf32, #tpu.memory_space<hbm>> -> memref<1x16x128xf32, #tpu.memory_space<hbm>>
        %dma_start3A_41 = tpu.memref_squeeze %dma_start3A_40 : memref<1x16x128xf32, #tpu.memory_space<hbm>> -> memref<16x128xf32, #tpu.memory_space<hbm>>
        %dma_start3A_42 = arith.constant 9984 : i32
        %dma_start3A_43 = arith.constant 0 : i32
        %dma_start3A_44 = tpu.memref_slice %arg11[%dma_start3A_42, %dma_start3A_43] : memref<10000x128xf32, #tpu.memory_space<vmem_shared>> -> memref<16x128xf32, #tpu.memory_space<vmem_shared>>
        tpu.enqueue_dma source(%dma_start3A_44 : memref<16x128xf32, #tpu.memory_space<vmem_shared>>) target(%dma_start3A_41 : memref<16x128xf32, #tpu.memory_space<hbm>>) target_semaphore(%run_scoped3A_37 : memref<!tpu.dma_semaphore, #tpu.memory_space<semaphore_mem>>)
        %dma_wait3A_45 = arith.constant 9984 : i32
        %dma_wait3A_46 = arith.constant 0 : i32
        %dma_wait3A_47 = tpu.memref_slice %arg6[%arg0, %dma_wait3A_45, %dma_wait3A_46] : memref<2x10000x128xf32, #tpu.memory_space<hbm>> -> memref<1x16x128xf32, #tpu.memory_space<hbm>>
        %dma_wait3A_48 = tpu.memref_squeeze %dma_wait3A_47 : memref<1x16x128xf32, #tpu.memory_space<hbm>> -> memref<16x128xf32, #tpu.memory_space<hbm>>
        %dma_wait3A_49 = arith.constant 9984 : i32
        %dma_wait3A_50 = arith.constant 0 : i32
        %dma_wait3A_51 = tpu.memref_slice %arg11[%dma_wait3A_49, %dma_wait3A_50] : memref<10000x128xf32, #tpu.memory_space<vmem_shared>> -> memref<16x128xf32, #tpu.memory_space<vmem_shared>>
        tpu.wait_dma2 semaphore(%run_scoped3A_37 : memref<!tpu.dma_semaphore, #tpu.memory_space<semaphore_mem>>) src(%dma_wait3A_51 : memref<16x128xf32, #tpu.memory_space<vmem_shared>>) dst(%dma_wait3A_48 : memref<16x128xf32, #tpu.memory_space<hbm>>)
        tpu.yield
      }) : () -> ()
    } else {
    }
    return
  }
}

#map = affine_map<(d0, d1) -> (0, 0)>
#map1 = affine_map<(d0, d1) -> (0)>
#map2 = affine_map<(d0, d1) -> (0, 0, 0)>
module attributes {stable_mosaic.version = 14 : i64} {
  func.func @seg_kernel(%arg0: i32, %arg1: i32, %arg2: memref<10000x128xf32, #tpu.memory_space<hbm>>, %arg3: memref<320000xi32, #tpu.memory_space<hbm>>, %arg4: memref<32x125x80xi32, #tpu.memory_space<hbm>>, %arg5: memref<10000x128xf32, #tpu.memory_space<hbm>>, %arg6: memref<2x10000x128xf32, #tpu.memory_space<hbm>>, %arg7: memref<10000xi32, #tpu.memory_space<vmem>>, %arg8: memref<125x80xi32, #tpu.memory_space<vmem>>, %arg9: memref<80x128xf32, #tpu.memory_space<vmem>>, %arg10: memref<80x128xf32, #tpu.memory_space<vmem>>, %arg11: memref<10000x128xf32, #tpu.memory_space<vmem_shared>>, %arg12: memref<!tpu.dma_semaphore, #tpu.memory_space<semaphore_mem>>, %arg13: memref<!tpu.dma_semaphore, #tpu.memory_space<semaphore_mem>>, %arg14: memref<!tpu.dma_semaphore, #tpu.memory_space<semaphore_mem>>) attributes {dimension_semantics = [#tpu.dimension_semantics<core_parallel>, #tpu.dimension_semantics<subcore_parallel>], iteration_bounds = array<i64: 2, 16>, scalar_prefetch = 0 : i64, scratch_operands = 8 : i64, tpu.core_type = #tpu.core_type<sc_vector_subcore>, window_params = [{transform_indices = #map}, {transform_indices = #map1}, {transform_indices = #map2}, {transform_indices = #map}, {transform_indices = #map2}]} {
    %mul3A = arith.constant 2 : i32
    %mul3A_0 = arith.muli %arg1, %mul3A : i32
    %add3A = arith.addi %mul3A_0, %arg0 : i32
    %mul3A_1 = arith.constant 10000 : i32
    %mul3A_2 = arith.muli %add3A, %mul3A_1 : i32
    %dma_start3A = tpu.memref_slice %arg3[%mul3A_2] : memref<320000xi32, #tpu.memory_space<hbm>> -> memref<10000xi32, #tpu.memory_space<hbm>>
    %dma_start3A_3 = tpu.memref_slice %arg3[%mul3A_2] : memref<320000xi32, #tpu.memory_space<hbm>> -> memref<10000xi32, #tpu.memory_space<hbm>>
    tpu.enqueue_dma source(%dma_start3A_3 : memref<10000xi32, #tpu.memory_space<hbm>>) target(%arg7 : memref<10000xi32, #tpu.memory_space<vmem>>) target_semaphore(%arg14 : memref<!tpu.dma_semaphore, #tpu.memory_space<semaphore_mem>>)
    "tpu.region"() ({
      %run_scoped3A_37 = tpu.sem_alloc : memref<!tpu.dma_semaphore, #tpu.memory_space<semaphore_mem>>
      %dma_start3A_38 = arith.constant 0 : i32
      %dma_start3A_39 = arith.constant 0 : i32
      %dma_start3A_40 = tpu.memref_slice %arg4[%add3A, %dma_start3A_38, %dma_start3A_39] : memref<32x125x80xi32, #tpu.memory_space<hbm>> -> memref<1x125x80xi32, #tpu.memory_space<hbm>>
      %dma_start3A_41 = tpu.memref_squeeze %dma_start3A_40 : memref<1x125x80xi32, #tpu.memory_space<hbm>> -> memref<125x80xi32, #tpu.memory_space<hbm>>
      %dma_start3A_42 = arith.constant 0 : i32
      %dma_start3A_43 = arith.constant 0 : i32
      %dma_start3A_44 = tpu.memref_slice %arg4[%add3A, %dma_start3A_42, %dma_start3A_43] : memref<32x125x80xi32, #tpu.memory_space<hbm>> -> memref<1x125x80xi32, #tpu.memory_space<hbm>>
      %dma_start3A_45 = tpu.memref_squeeze %dma_start3A_44 : memref<1x125x80xi32, #tpu.memory_space<hbm>> -> memref<125x80xi32, #tpu.memory_space<hbm>>
      tpu.enqueue_dma source(%dma_start3A_45 : memref<125x80xi32, #tpu.memory_space<hbm>>) target(%arg8 : memref<125x80xi32, #tpu.memory_space<vmem>>) target_semaphore(%run_scoped3A_37 : memref<!tpu.dma_semaphore, #tpu.memory_space<semaphore_mem>>)
      %dma_wait3A_46 = arith.constant 0 : i32
      %dma_wait3A_47 = arith.constant 0 : i32
      %dma_wait3A_48 = tpu.memref_slice %arg4[%add3A, %dma_wait3A_46, %dma_wait3A_47] : memref<32x125x80xi32, #tpu.memory_space<hbm>> -> memref<1x125x80xi32, #tpu.memory_space<hbm>>
      %dma_wait3A_49 = tpu.memref_squeeze %dma_wait3A_48 : memref<1x125x80xi32, #tpu.memory_space<hbm>> -> memref<125x80xi32, #tpu.memory_space<hbm>>
      %dma_wait3A_50 = arith.constant 0 : i32
      %dma_wait3A_51 = arith.constant 0 : i32
      %dma_wait3A_52 = tpu.memref_slice %arg4[%add3A, %dma_wait3A_50, %dma_wait3A_51] : memref<32x125x80xi32, #tpu.memory_space<hbm>> -> memref<1x125x80xi32, #tpu.memory_space<hbm>>
      %dma_wait3A_53 = tpu.memref_squeeze %dma_wait3A_52 : memref<1x125x80xi32, #tpu.memory_space<hbm>> -> memref<125x80xi32, #tpu.memory_space<hbm>>
      tpu.wait_dma2 semaphore(%run_scoped3A_37 : memref<!tpu.dma_semaphore, #tpu.memory_space<semaphore_mem>>) src(%dma_wait3A_53 : memref<125x80xi32, #tpu.memory_space<hbm>>) dst(%arg8 : memref<125x80xi32, #tpu.memory_space<vmem>>)
      tpu.yield
    }) : () -> ()
    %mul3A_4 = arith.constant 624 : i32
    %mul3A_5 = arith.muli %arg1, %mul3A_4 : i32
    %mul3A_6 = arith.constant 624 : i32
    %mul3A_7 = arith.muli %arg1, %mul3A_6 : i32
    "tpu.region"() ({
      %run_scoped3A_37 = tpu.sem_alloc : memref<!tpu.dma_semaphore, #tpu.memory_space<semaphore_mem>>
      %dma_start3A_38 = arith.constant 0 : i32
      %dma_start3A_39 = tpu.memref_slice %arg11[%mul3A_7, %dma_start3A_38] : memref<10000x128xf32, #tpu.memory_space<vmem_shared>> -> memref<624x128xf32, #tpu.memory_space<vmem_shared>>
      %dma_start3A_40 = arith.constant 0 : i32
      %dma_start3A_41 = tpu.memref_slice %arg5[%mul3A_5, %dma_start3A_40] : memref<10000x128xf32, #tpu.memory_space<hbm>> -> memref<624x128xf32, #tpu.memory_space<hbm>>
      tpu.enqueue_dma source(%dma_start3A_41 : memref<624x128xf32, #tpu.memory_space<hbm>>) target(%dma_start3A_39 : memref<624x128xf32, #tpu.memory_space<vmem_shared>>) target_semaphore(%run_scoped3A_37 : memref<!tpu.dma_semaphore, #tpu.memory_space<semaphore_mem>>)
      %dma_wait3A_42 = arith.constant 0 : i32
      %dma_wait3A_43 = tpu.memref_slice %arg11[%mul3A_7, %dma_wait3A_42] : memref<10000x128xf32, #tpu.memory_space<vmem_shared>> -> memref<624x128xf32, #tpu.memory_space<vmem_shared>>
      %dma_wait3A_44 = arith.constant 0 : i32
      %dma_wait3A_45 = tpu.memref_slice %arg5[%mul3A_5, %dma_wait3A_44] : memref<10000x128xf32, #tpu.memory_space<hbm>> -> memref<624x128xf32, #tpu.memory_space<hbm>>
      tpu.wait_dma2 semaphore(%run_scoped3A_37 : memref<!tpu.dma_semaphore, #tpu.memory_space<semaphore_mem>>) src(%dma_wait3A_45 : memref<624x128xf32, #tpu.memory_space<hbm>>) dst(%dma_wait3A_43 : memref<624x128xf32, #tpu.memory_space<vmem_shared>>)
      tpu.yield
    }) : () -> ()
    %eq3A = arith.constant 15 : i32
    %eq3A_8 = arith.cmpi eq, %arg1, %eq3A : i32
    %convert_element_type3A = arith.extui %eq3A_8 : i1 to i32
    %cond3A = arith.constant 0 : i32
    %cond3A_9 = arith.cmpi ne, %convert_element_type3A, %cond3A : i32
    scf.if %cond3A_9 {
      "tpu.region"() ({
        %run_scoped3A_37 = tpu.sem_alloc : memref<!tpu.dma_semaphore, #tpu.memory_space<semaphore_mem>>
        %dma_start3A_38 = arith.constant 9984 : i32
        %dma_start3A_39 = arith.constant 0 : i32
        %dma_start3A_40 = tpu.memref_slice %arg11[%dma_start3A_38, %dma_start3A_39] : memref<10000x128xf32, #tpu.memory_space<vmem_shared>> -> memref<16x128xf32, #tpu.memory_space<vmem_shared>>
        %dma_start3A_41 = arith.constant 9984 : i32
        %dma_start3A_42 = arith.constant 0 : i32
        %dma_start3A_43 = tpu.memref_slice %arg5[%dma_start3A_41, %dma_start3A_42] : memref<10000x128xf32, #tpu.memory_space<hbm>> -> memref<16x128xf32, #tpu.memory_space<hbm>>
        tpu.enqueue_dma source(%dma_start3A_43 : memref<16x128xf32, #tpu.memory_space<hbm>>) target(%dma_start3A_40 : memref<16x128xf32, #tpu.memory_space<vmem_shared>>) target_semaphore(%run_scoped3A_37 : memref<!tpu.dma_semaphore, #tpu.memory_space<semaphore_mem>>)
        %dma_wait3A_44 = arith.constant 9984 : i32
        %dma_wait3A_45 = arith.constant 0 : i32
        %dma_wait3A_46 = tpu.memref_slice %arg11[%dma_wait3A_44, %dma_wait3A_45] : memref<10000x128xf32, #tpu.memory_space<vmem_shared>> -> memref<16x128xf32, #tpu.memory_space<vmem_shared>>
        %dma_wait3A_47 = arith.constant 9984 : i32
        %dma_wait3A_48 = arith.constant 0 : i32
        %dma_wait3A_49 = tpu.memref_slice %arg5[%dma_wait3A_47, %dma_wait3A_48] : memref<10000x128xf32, #tpu.memory_space<hbm>> -> memref<16x128xf32, #tpu.memory_space<hbm>>
        tpu.wait_dma2 semaphore(%run_scoped3A_37 : memref<!tpu.dma_semaphore, #tpu.memory_space<semaphore_mem>>) src(%dma_wait3A_49 : memref<16x128xf32, #tpu.memory_space<hbm>>) dst(%dma_wait3A_46 : memref<16x128xf32, #tpu.memory_space<vmem_shared>>)
        tpu.yield
      }) : () -> ()
    } else {
    }
    %dma_wait3A = tpu.memref_slice %arg3[%mul3A_2] : memref<320000xi32, #tpu.memory_space<hbm>> -> memref<10000xi32, #tpu.memory_space<hbm>>
    %dma_wait3A_10 = tpu.memref_slice %arg3[%mul3A_2] : memref<320000xi32, #tpu.memory_space<hbm>> -> memref<10000xi32, #tpu.memory_space<hbm>>
    tpu.wait_dma2 semaphore(%arg14 : memref<!tpu.dma_semaphore, #tpu.memory_space<semaphore_mem>>) src(%dma_wait3A_10 : memref<10000xi32, #tpu.memory_space<hbm>>) dst(%arg7 : memref<10000xi32, #tpu.memory_space<vmem>>)
    %barrier3A = arith.constant 0 : index
    tpu.barrier barrier_id(%barrier3A)
    %dma_start3A_11 = arith.constant 0 : i32
    %dma_start3A_12 = tpu.memref_slice %arg7[%dma_start3A_11] : memref<10000xi32, #tpu.memory_space<vmem>> -> memref<80xi32, #tpu.memory_space<vmem>>
    %dma_start3A_13 = arith.constant 0 : i32
    %dma_start3A_14 = arith.constant 0 : i32
    %dma_start3A_15 = tpu.memref_slice %arg2[%dma_start3A_13, %dma_start3A_14] : memref<10000x128xf32, #tpu.memory_space<hbm>> -> memref<10000x128xf32, #tpu.memory_space<hbm>>
    tpu.enqueue_indirect_dma source(%dma_start3A_15 : memref<10000x128xf32, #tpu.memory_space<hbm>>) target(%arg9 : memref<80x128xf32, #tpu.memory_space<vmem>>) offsets(%dma_start3A_12 : memref<80xi32, #tpu.memory_space<vmem>>) semaphore(%arg12 : memref<!tpu.dma_semaphore, #tpu.memory_space<semaphore_mem>>)
    %scan3A = arith.constant 0 : i32
    %scan3A_16 = arith.constant 0 : i32
    %scan3A_17 = arith.constant 62 : i32
    %scan3A_18 = arith.addi %scan3A_16, %scan3A_17 : i32
    %scan3A_19 = arith.constant 1 : i32
    scf.for %scan3A_37 = %scan3A_16 to %scan3A_18 step %scan3A_19  : i32 {
      %mul3A_38 = arith.constant 2 : i32
      %mul3A_39 = arith.muli %mul3A_38, %scan3A_37 : i32
      %add3A_40 = arith.constant 1 : i32
      %add3A_41 = arith.addi %mul3A_39, %add3A_40 : i32
      %mul3A_42 = arith.constant 80 : i32
      %mul3A_43 = arith.muli %add3A_41, %mul3A_42 : i32
      %dma_start3A_44 = tpu.memref_slice %arg7[%mul3A_43] : memref<10000xi32, #tpu.memory_space<vmem>> -> memref<80xi32, #tpu.memory_space<vmem>>
      %dma_start3A_45 = arith.constant 0 : i32
      %dma_start3A_46 = arith.constant 0 : i32
      %dma_start3A_47 = tpu.memref_slice %arg2[%dma_start3A_45, %dma_start3A_46] : memref<10000x128xf32, #tpu.memory_space<hbm>> -> memref<10000x128xf32, #tpu.memory_space<hbm>>
      tpu.enqueue_indirect_dma source(%dma_start3A_47 : memref<10000x128xf32, #tpu.memory_space<hbm>>) target(%arg10 : memref<80x128xf32, #tpu.memory_space<vmem>>) offsets(%dma_start3A_44 : memref<80xi32, #tpu.memory_space<vmem>>) semaphore(%arg13 : memref<!tpu.dma_semaphore, #tpu.memory_space<semaphore_mem>>)
      %dma_wait3A_48 = arith.constant 0 : i32
      %dma_wait3A_49 = arith.constant 0 : i32
      %dma_wait3A_50 = tpu.memref_slice %arg2[%dma_wait3A_48, %dma_wait3A_49] : memref<10000x128xf32, #tpu.memory_space<hbm>> -> memref<80x128xf32, #tpu.memory_space<hbm>>
      %dma_wait3A_51 = arith.constant 0 : i32
      %dma_wait3A_52 = arith.constant 0 : i32
      %dma_wait3A_53 = tpu.memref_slice %arg2[%dma_wait3A_51, %dma_wait3A_52] : memref<10000x128xf32, #tpu.memory_space<hbm>> -> memref<80x128xf32, #tpu.memory_space<hbm>>
      tpu.wait_dma2 semaphore(%arg12 : memref<!tpu.dma_semaphore, #tpu.memory_space<semaphore_mem>>) src(%dma_wait3A_53 : memref<80x128xf32, #tpu.memory_space<hbm>>) dst(%arg9 : memref<80x128xf32, #tpu.memory_space<vmem>>)
      "tpu.region"() ({
        %run_scoped3A_70 = tpu.sem_alloc : memref<!tpu.dma_semaphore, #tpu.memory_space<semaphore_mem>>
        %dma_start3A_71 = arith.constant 0 : i32
        %dma_start3A_72 = tpu.memref_slice %arg8[%mul3A_39, %dma_start3A_71] : memref<125x80xi32, #tpu.memory_space<vmem>> -> memref<1x80xi32, #tpu.memory_space<vmem>>
        %dma_start3A_73 = tpu.memref_squeeze %dma_start3A_72 : memref<1x80xi32, #tpu.memory_space<vmem>> -> memref<80xi32, #tpu.memory_space<vmem>>
        %dma_start3A_74 = arith.constant 0 : i32
        %dma_start3A_75 = arith.constant 0 : i32
        %dma_start3A_76 = tpu.memref_slice %arg11[%dma_start3A_74, %dma_start3A_75] : memref<10000x128xf32, #tpu.memory_space<vmem_shared>> -> memref<10000x128xf32, #tpu.memory_space<vmem_shared>>
        tpu.enqueue_indirect_dma source(%arg9 : memref<80x128xf32, #tpu.memory_space<vmem>>) target(%dma_start3A_76 : memref<10000x128xf32, #tpu.memory_space<vmem_shared>>) offsets(%dma_start3A_73 : memref<80xi32, #tpu.memory_space<vmem>>) semaphore(%run_scoped3A_70 : memref<!tpu.dma_semaphore, #tpu.memory_space<semaphore_mem>>) {add = true}
        %dma_wait3A_77 = arith.constant 0 : i32
        %dma_wait3A_78 = tpu.memref_slice %arg8[%mul3A_39, %dma_wait3A_77] : memref<125x80xi32, #tpu.memory_space<vmem>> -> memref<1x80xi32, #tpu.memory_space<vmem>>
        %dma_wait3A_79 = tpu.memref_squeeze %dma_wait3A_78 : memref<1x80xi32, #tpu.memory_space<vmem>> -> memref<80xi32, #tpu.memory_space<vmem>>
        %dma_wait3A_80 = arith.constant 0 : i32
        %dma_wait3A_81 = arith.constant 0 : i32
        %dma_wait3A_82 = tpu.memref_slice %arg11[%dma_wait3A_80, %dma_wait3A_81] : memref<10000x128xf32, #tpu.memory_space<vmem_shared>> -> memref<10000x128xf32, #tpu.memory_space<vmem_shared>>
        tpu.wait_indirect_dma semaphore(%run_scoped3A_70 : memref<!tpu.dma_semaphore, #tpu.memory_space<semaphore_mem>>) src(%arg9 : memref<80x128xf32, #tpu.memory_space<vmem>>) dst(%dma_wait3A_82 : memref<10000x128xf32, #tpu.memory_space<vmem_shared>>)
        tpu.yield
      }) : () -> ()
      %add3A_54 = arith.constant 2 : i32
      %add3A_55 = arith.addi %mul3A_39, %add3A_54 : i32
      %mul3A_56 = arith.constant 80 : i32
      %mul3A_57 = arith.muli %add3A_55, %mul3A_56 : i32
      %dma_start3A_58 = tpu.memref_slice %arg7[%mul3A_57] : memref<10000xi32, #tpu.memory_space<vmem>> -> memref<80xi32, #tpu.memory_space<vmem>>
      %dma_start3A_59 = arith.constant 0 : i32
      %dma_start3A_60 = arith.constant 0 : i32
      %dma_start3A_61 = tpu.memref_slice %arg2[%dma_start3A_59, %dma_start3A_60] : memref<10000x128xf32, #tpu.memory_space<hbm>> -> memref<10000x128xf32, #tpu.memory_space<hbm>>
      tpu.enqueue_indirect_dma source(%dma_start3A_61 : memref<10000x128xf32, #tpu.memory_space<hbm>>) target(%arg9 : memref<80x128xf32, #tpu.memory_space<vmem>>) offsets(%dma_start3A_58 : memref<80xi32, #tpu.memory_space<vmem>>) semaphore(%arg12 : memref<!tpu.dma_semaphore, #tpu.memory_space<semaphore_mem>>)
      %dma_wait3A_62 = arith.constant 0 : i32
      %dma_wait3A_63 = arith.constant 0 : i32
      %dma_wait3A_64 = tpu.memref_slice %arg2[%dma_wait3A_62, %dma_wait3A_63] : memref<10000x128xf32, #tpu.memory_space<hbm>> -> memref<80x128xf32, #tpu.memory_space<hbm>>
      %dma_wait3A_65 = arith.constant 0 : i32
      %dma_wait3A_66 = arith.constant 0 : i32
      %dma_wait3A_67 = tpu.memref_slice %arg2[%dma_wait3A_65, %dma_wait3A_66] : memref<10000x128xf32, #tpu.memory_space<hbm>> -> memref<80x128xf32, #tpu.memory_space<hbm>>
      tpu.wait_dma2 semaphore(%arg13 : memref<!tpu.dma_semaphore, #tpu.memory_space<semaphore_mem>>) src(%dma_wait3A_67 : memref<80x128xf32, #tpu.memory_space<hbm>>) dst(%arg10 : memref<80x128xf32, #tpu.memory_space<vmem>>)
      %add3A_68 = arith.constant 1 : i32
      %add3A_69 = arith.addi %mul3A_39, %add3A_68 : i32
      "tpu.region"() ({
        %run_scoped3A_70 = tpu.sem_alloc : memref<!tpu.dma_semaphore, #tpu.memory_space<semaphore_mem>>
        %dma_start3A_71 = arith.constant 0 : i32
        %dma_start3A_72 = tpu.memref_slice %arg8[%add3A_69, %dma_start3A_71] : memref<125x80xi32, #tpu.memory_space<vmem>> -> memref<1x80xi32, #tpu.memory_space<vmem>>
        %dma_start3A_73 = tpu.memref_squeeze %dma_start3A_72 : memref<1x80xi32, #tpu.memory_space<vmem>> -> memref<80xi32, #tpu.memory_space<vmem>>
        %dma_start3A_74 = arith.constant 0 : i32
        %dma_start3A_75 = arith.constant 0 : i32
        %dma_start3A_76 = tpu.memref_slice %arg11[%dma_start3A_74, %dma_start3A_75] : memref<10000x128xf32, #tpu.memory_space<vmem_shared>> -> memref<10000x128xf32, #tpu.memory_space<vmem_shared>>
        tpu.enqueue_indirect_dma source(%arg10 : memref<80x128xf32, #tpu.memory_space<vmem>>) target(%dma_start3A_76 : memref<10000x128xf32, #tpu.memory_space<vmem_shared>>) offsets(%dma_start3A_73 : memref<80xi32, #tpu.memory_space<vmem>>) semaphore(%run_scoped3A_70 : memref<!tpu.dma_semaphore, #tpu.memory_space<semaphore_mem>>) {add = true}
        %dma_wait3A_77 = arith.constant 0 : i32
        %dma_wait3A_78 = tpu.memref_slice %arg8[%add3A_69, %dma_wait3A_77] : memref<125x80xi32, #tpu.memory_space<vmem>> -> memref<1x80xi32, #tpu.memory_space<vmem>>
        %dma_wait3A_79 = tpu.memref_squeeze %dma_wait3A_78 : memref<1x80xi32, #tpu.memory_space<vmem>> -> memref<80xi32, #tpu.memory_space<vmem>>
        %dma_wait3A_80 = arith.constant 0 : i32
        %dma_wait3A_81 = arith.constant 0 : i32
        %dma_wait3A_82 = tpu.memref_slice %arg11[%dma_wait3A_80, %dma_wait3A_81] : memref<10000x128xf32, #tpu.memory_space<vmem_shared>> -> memref<10000x128xf32, #tpu.memory_space<vmem_shared>>
        tpu.wait_indirect_dma semaphore(%run_scoped3A_70 : memref<!tpu.dma_semaphore, #tpu.memory_space<semaphore_mem>>) src(%arg10 : memref<80x128xf32, #tpu.memory_space<vmem>>) dst(%dma_wait3A_82 : memref<10000x128xf32, #tpu.memory_space<vmem_shared>>)
        tpu.yield
      }) : () -> ()
    }
    %scan3A_20 = arith.constant 62 : i32
    %dma_wait3A_21 = arith.constant 0 : i32
    %dma_wait3A_22 = arith.constant 0 : i32
    %dma_wait3A_23 = tpu.memref_slice %arg2[%dma_wait3A_21, %dma_wait3A_22] : memref<10000x128xf32, #tpu.memory_space<hbm>> -> memref<80x128xf32, #tpu.memory_space<hbm>>
    %dma_wait3A_24 = arith.constant 0 : i32
    %dma_wait3A_25 = arith.constant 0 : i32
    %dma_wait3A_26 = tpu.memref_slice %arg2[%dma_wait3A_24, %dma_wait3A_25] : memref<10000x128xf32, #tpu.memory_space<hbm>> -> memref<80x128xf32, #tpu.memory_space<hbm>>
    tpu.wait_dma2 semaphore(%arg12 : memref<!tpu.dma_semaphore, #tpu.memory_space<semaphore_mem>>) src(%dma_wait3A_26 : memref<80x128xf32, #tpu.memory_space<hbm>>) dst(%arg9 : memref<80x128xf32, #tpu.memory_space<vmem>>)
    %run_scoped3A = arith.constant 124 : i32
    "tpu.region"() ({
      %run_scoped3A_37 = tpu.sem_alloc : memref<!tpu.dma_semaphore, #tpu.memory_space<semaphore_mem>>
      %dma_start3A_38 = arith.constant 0 : i32
      %dma_start3A_39 = tpu.memref_slice %arg8[%run_scoped3A, %dma_start3A_38] : memref<125x80xi32, #tpu.memory_space<vmem>> -> memref<1x80xi32, #tpu.memory_space<vmem>>
      %dma_start3A_40 = tpu.memref_squeeze %dma_start3A_39 : memref<1x80xi32, #tpu.memory_space<vmem>> -> memref<80xi32, #tpu.memory_space<vmem>>
      %dma_start3A_41 = arith.constant 0 : i32
      %dma_start3A_42 = arith.constant 0 : i32
      %dma_start3A_43 = tpu.memref_slice %arg11[%dma_start3A_41, %dma_start3A_42] : memref<10000x128xf32, #tpu.memory_space<vmem_shared>> -> memref<10000x128xf32, #tpu.memory_space<vmem_shared>>
      tpu.enqueue_indirect_dma source(%arg9 : memref<80x128xf32, #tpu.memory_space<vmem>>) target(%dma_start3A_43 : memref<10000x128xf32, #tpu.memory_space<vmem_shared>>) offsets(%dma_start3A_40 : memref<80xi32, #tpu.memory_space<vmem>>) semaphore(%run_scoped3A_37 : memref<!tpu.dma_semaphore, #tpu.memory_space<semaphore_mem>>) {add = true}
      %dma_wait3A_44 = arith.constant 0 : i32
      %dma_wait3A_45 = tpu.memref_slice %arg8[%run_scoped3A, %dma_wait3A_44] : memref<125x80xi32, #tpu.memory_space<vmem>> -> memref<1x80xi32, #tpu.memory_space<vmem>>
      %dma_wait3A_46 = tpu.memref_squeeze %dma_wait3A_45 : memref<1x80xi32, #tpu.memory_space<vmem>> -> memref<80xi32, #tpu.memory_space<vmem>>
      %dma_wait3A_47 = arith.constant 0 : i32
      %dma_wait3A_48 = arith.constant 0 : i32
      %dma_wait3A_49 = tpu.memref_slice %arg11[%dma_wait3A_47, %dma_wait3A_48] : memref<10000x128xf32, #tpu.memory_space<vmem_shared>> -> memref<10000x128xf32, #tpu.memory_space<vmem_shared>>
      tpu.wait_indirect_dma semaphore(%run_scoped3A_37 : memref<!tpu.dma_semaphore, #tpu.memory_space<semaphore_mem>>) src(%arg9 : memref<80x128xf32, #tpu.memory_space<vmem>>) dst(%dma_wait3A_49 : memref<10000x128xf32, #tpu.memory_space<vmem_shared>>)
      tpu.yield
    }) : () -> ()
    %barrier3A_27 = arith.constant 0 : index
    tpu.barrier barrier_id(%barrier3A_27)
    %mul3A_28 = arith.constant 624 : i32
    %mul3A_29 = arith.muli %arg1, %mul3A_28 : i32
    %mul3A_30 = arith.constant 624 : i32
    %mul3A_31 = arith.muli %arg1, %mul3A_30 : i32
    "tpu.region"() ({
      %run_scoped3A_37 = tpu.sem_alloc : memref<!tpu.dma_semaphore, #tpu.memory_space<semaphore_mem>>
      %dma_start3A_38 = arith.constant 0 : i32
      %dma_start3A_39 = tpu.memref_slice %arg6[%arg0, %mul3A_31, %dma_start3A_38] : memref<2x10000x128xf32, #tpu.memory_space<hbm>> -> memref<1x624x128xf32, #tpu.memory_space<hbm>>
      %dma_start3A_40 = tpu.memref_squeeze %dma_start3A_39 : memref<1x624x128xf32, #tpu.memory_space<hbm>> -> memref<624x128xf32, #tpu.memory_space<hbm>>
      %dma_start3A_41 = arith.constant 0 : i32
      %dma_start3A_42 = tpu.memref_slice %arg11[%mul3A_29, %dma_start3A_41] : memref<10000x128xf32, #tpu.memory_space<vmem_shared>> -> memref<624x128xf32, #tpu.memory_space<vmem_shared>>
      tpu.enqueue_dma source(%dma_start3A_42 : memref<624x128xf32, #tpu.memory_space<vmem_shared>>) target(%dma_start3A_40 : memref<624x128xf32, #tpu.memory_space<hbm>>) target_semaphore(%run_scoped3A_37 : memref<!tpu.dma_semaphore, #tpu.memory_space<semaphore_mem>>)
      %dma_wait3A_43 = arith.constant 0 : i32
      %dma_wait3A_44 = tpu.memref_slice %arg6[%arg0, %mul3A_31, %dma_wait3A_43] : memref<2x10000x128xf32, #tpu.memory_space<hbm>> -> memref<1x624x128xf32, #tpu.memory_space<hbm>>
      %dma_wait3A_45 = tpu.memref_squeeze %dma_wait3A_44 : memref<1x624x128xf32, #tpu.memory_space<hbm>> -> memref<624x128xf32, #tpu.memory_space<hbm>>
      %dma_wait3A_46 = arith.constant 0 : i32
      %dma_wait3A_47 = tpu.memref_slice %arg11[%mul3A_29, %dma_wait3A_46] : memref<10000x128xf32, #tpu.memory_space<vmem_shared>> -> memref<624x128xf32, #tpu.memory_space<vmem_shared>>
      tpu.wait_dma2 semaphore(%run_scoped3A_37 : memref<!tpu.dma_semaphore, #tpu.memory_space<semaphore_mem>>) src(%dma_wait3A_47 : memref<624x128xf32, #tpu.memory_space<vmem_shared>>) dst(%dma_wait3A_45 : memref<624x128xf32, #tpu.memory_space<hbm>>)
      tpu.yield
    }) : () -> ()
    %eq3A_32 = arith.constant 15 : i32
    %eq3A_33 = arith.cmpi eq, %arg1, %eq3A_32 : i32
    %convert_element_type3A_34 = arith.extui %eq3A_33 : i1 to i32
    %cond3A_35 = arith.constant 0 : i32
    %cond3A_36 = arith.cmpi ne, %convert_element_type3A_34, %cond3A_35 : i32
    scf.if %cond3A_36 {
      "tpu.region"() ({
        %run_scoped3A_37 = tpu.sem_alloc : memref<!tpu.dma_semaphore, #tpu.memory_space<semaphore_mem>>
        %dma_start3A_38 = arith.constant 9984 : i32
        %dma_start3A_39 = arith.constant 0 : i32
        %dma_start3A_40 = tpu.memref_slice %arg6[%arg0, %dma_start3A_38, %dma_start3A_39] : memref<2x10000x128xf32, #tpu.memory_space<hbm>> -> memref<1x16x128xf32, #tpu.memory_space<hbm>>
        %dma_start3A_41 = tpu.memref_squeeze %dma_start3A_40 : memref<1x16x128xf32, #tpu.memory_space<hbm>> -> memref<16x128xf32, #tpu.memory_space<hbm>>
        %dma_start3A_42 = arith.constant 9984 : i32
        %dma_start3A_43 = arith.constant 0 : i32
        %dma_start3A_44 = tpu.memref_slice %arg11[%dma_start3A_42, %dma_start3A_43] : memref<10000x128xf32, #tpu.memory_space<vmem_shared>> -> memref<16x128xf32, #tpu.memory_space<vmem_shared>>
        tpu.enqueue_dma source(%dma_start3A_44 : memref<16x128xf32, #tpu.memory_space<vmem_shared>>) target(%dma_start3A_41 : memref<16x128xf32, #tpu.memory_space<hbm>>) target_semaphore(%run_scoped3A_37 : memref<!tpu.dma_semaphore, #tpu.memory_space<semaphore_mem>>)
        %dma_wait3A_45 = arith.constant 9984 : i32
        %dma_wait3A_46 = arith.constant 0 : i32
        %dma_wait3A_47 = tpu.memref_slice %arg6[%arg0, %dma_wait3A_45, %dma_wait3A_46] : memref<2x10000x128xf32, #tpu.memory_space<hbm>> -> memref<1x16x128xf32, #tpu.memory_space<hbm>>
        %dma_wait3A_48 = tpu.memref_squeeze %dma_wait3A_47 : memref<1x16x128xf32, #tpu.memory_space<hbm>> -> memref<16x128xf32, #tpu.memory_space<hbm>>
        %dma_wait3A_49 = arith.constant 9984 : i32
        %dma_wait3A_50 = arith.constant 0 : i32
        %dma_wait3A_51 = tpu.memref_slice %arg11[%dma_wait3A_49, %dma_wait3A_50] : memref<10000x128xf32, #tpu.memory_space<vmem_shared>> -> memref<16x128xf32, #tpu.memory_space<vmem_shared>>
        tpu.wait_dma2 semaphore(%run_scoped3A_37 : memref<!tpu.dma_semaphore, #tpu.memory_space<semaphore_mem>>) src(%dma_wait3A_51 : memref<16x128xf32, #tpu.memory_space<vmem_shared>>) dst(%dma_wait3A_48 : memref<16x128xf32, #tpu.memory_space<hbm>>)
        tpu.yield
      }) : () -> ()
    } else {
    }
    return
  }
}

module attributes {stable_mosaic.version = 14 : i64} {
  func.func @_kan1_body(%arg0: i32, %arg1: memref<2000x128xf32, #tpu.memory_space<vmem>>, %arg2: memref<2x2000x128xf32, #tpu.memory_space<vmem>>, %arg3: memref<128x128xf32, #tpu.memory_space<vmem>>, %arg4: memref<7x128x128xf32, #tpu.memory_space<vmem>>, %arg5: memref<2000x128xf32, #tpu.memory_space<vmem>>, %arg6: memref<2000x128xf32, #tpu.memory_space<vmem>>) attributes {dimension_semantics = [#tpu.dimension_semantics<arbitrary>], iteration_bounds = array<i64: 5>, scalar_prefetch = 0 : i64, scratch_operands = 0 : i64, tpu.core_type = #tpu.core_type<tc>, window_params = [{transform_indices = @transform_0, window_bounds = array<i64: 2000, 128>}, {transform_indices = @transform_1, window_bounds = array<i64: 2, 2000, 128>}, {pipeline_mode = #tpu.pipeline_mode<synchronous>, transform_indices = @transform_2, window_bounds = array<i64: 128, 128>}, {pipeline_mode = #tpu.pipeline_mode<synchronous>, transform_indices = @transform_3, window_bounds = array<i64: 7, 128, 128>}, {transform_indices = @transform_4, window_bounds = array<i64: 2000, 128>}, {transform_indices = @transform_5, window_bounds = array<i64: 2000, 128>}]} {
    %get3A = arith.constant 0 : index
    %get3A_0 = arith.constant 0 : index
    %get3A_1 = vector.load %arg1[%get3A, %get3A_0] : memref<2000x128xf32, #tpu.memory_space<vmem>>, vector<2000x128xf32>
    %get3A_2 = arith.constant 0 : index
    %get3A_3 = arith.constant 0 : index
    %get3A_4 = arith.constant 0 : index
    %get3A_5 = vector.load %arg2[%get3A_2, %get3A_3, %get3A_4] : memref<2x2000x128xf32, #tpu.memory_space<vmem>>, vector<1x2000x128xf32>
    %get3A_6 = vector.shape_cast %get3A_5 : vector<1x2000x128xf32> to vector<2000x128xf32>
    %add3A = arith.addf %get3A_1, %get3A_6 : vector<2000x128xf32>
    %get3A_7 = arith.constant 1 : index
    %get3A_8 = arith.constant 0 : index
    %get3A_9 = arith.constant 0 : index
    %get3A_10 = vector.load %arg2[%get3A_7, %get3A_8, %get3A_9] : memref<2x2000x128xf32, #tpu.memory_space<vmem>>, vector<1x2000x128xf32>
    %get3A_11 = vector.shape_cast %get3A_10 : vector<1x2000x128xf32> to vector<2000x128xf32>
    %add3A_12 = arith.addf %add3A, %get3A_11 : vector<2000x128xf32>
    %swap3A = arith.constant 0 : index
    %swap3A_13 = arith.constant 0 : index
    %swap3A_14 = vector.load %arg5[%swap3A, %swap3A_13] : memref<2000x128xf32, #tpu.memory_space<vmem>>, vector<2000x128xf32>
    tpu.vector_store %arg5[%swap3A, %swap3A_13], %add3A_12 {strides = array<i32>} : memref<2000x128xf32, #tpu.memory_space<vmem>>, vector<2000x128xf32>,
    %neg3A = arith.constant 0.000000e+00 : f32
    %neg3A_15 = vector.broadcast %neg3A : f32 to vector<2000x128xf32>
    %neg3A_16 = arith.subf %neg3A_15, %add3A_12 : vector<2000x128xf32>
    %exp3A = math.exp %neg3A_16 : vector<2000x128xf32>
    %add3A_17 = arith.constant 1.000000e+00 : f32
    %add3A_18 = vector.broadcast %add3A_17 : f32 to vector<2000x128xf32>
    %add3A_19 = arith.addf %add3A_18, %exp3A : vector<2000x128xf32>
    %div3A = arith.constant 1.000000e+00 : f32
    %div3A_20 = vector.broadcast %div3A : f32 to vector<2000x128xf32>
    %div3A_21 = arith.divf %div3A_20, %add3A_19 : vector<2000x128xf32>
    %mul3A = arith.mulf %add3A_12, %div3A_21 : vector<2000x128xf32>
    %get3A_22 = arith.constant 0 : index
    %get3A_23 = arith.constant 0 : index
    %get3A_24 = vector.load %arg3[%get3A_22, %get3A_23] : memref<128x128xf32, #tpu.memory_space<vmem>>, vector<128x128xf32>
    %dot_general3A = arith.constant dense<0.000000e+00> : vector<2000x128xf32>
    %dot_general3A_25 = tpu.matmul %mul3A, %get3A_24, %dot_general3A {dimension_numbers = #tpu.dot_dimension_numbers<[1], [0], [0], [1], [0, 0, 1, 1], [], []>, transpose_lhs_hint = false} : vector<2000x128xf32>, vector<128x128xf32>, vector<2000x128xf32> -> vector<2000x128xf32>
    %sub3A = arith.constant -2.500000e+00 : f32
    %sub3A_26 = vector.broadcast %sub3A : f32 to vector<2000x128xf32>
    %sub3A_27 = arith.subf %add3A_12, %sub3A_26 : vector<2000x128xf32>
    %sub3A_28 = arith.constant -2.000000e+00 : f32
    %sub3A_29 = vector.broadcast %sub3A_28 : f32 to vector<2000x128xf32>
    %sub3A_30 = arith.subf %add3A_12, %sub3A_29 : vector<2000x128xf32>
    %sub3A_31 = arith.constant -1.500000e+00 : f32
    %sub3A_32 = vector.broadcast %sub3A_31 : f32 to vector<2000x128xf32>
    %sub3A_33 = arith.subf %add3A_12, %sub3A_32 : vector<2000x128xf32>
    %sub3A_34 = arith.constant -1.000000e+00 : f32
    %sub3A_35 = vector.broadcast %sub3A_34 : f32 to vector<2000x128xf32>
    %sub3A_36 = arith.subf %add3A_12, %sub3A_35 : vector<2000x128xf32>
    %sub3A_37 = arith.constant -5.000000e-01 : f32
    %sub3A_38 = vector.broadcast %sub3A_37 : f32 to vector<2000x128xf32>
    %sub3A_39 = arith.subf %add3A_12, %sub3A_38 : vector<2000x128xf32>
    %sub3A_40 = arith.constant 0.000000e+00 : f32
    %sub3A_41 = vector.broadcast %sub3A_40 : f32 to vector<2000x128xf32>
    %sub3A_42 = arith.subf %add3A_12, %sub3A_41 : vector<2000x128xf32>
    %sub3A_43 = arith.constant 5.000000e-01 : f32
    %sub3A_44 = vector.broadcast %sub3A_43 : f32 to vector<2000x128xf32>
    %sub3A_45 = arith.subf %add3A_12, %sub3A_44 : vector<2000x128xf32>
    %sub3A_46 = arith.constant 1.000000e+00 : f32
    %sub3A_47 = vector.broadcast %sub3A_46 : f32 to vector<2000x128xf32>
    %sub3A_48 = arith.subf %add3A_12, %sub3A_47 : vector<2000x128xf32>
    %sub3A_49 = arith.constant 1.500000e+00 : f32
    %sub3A_50 = vector.broadcast %sub3A_49 : f32 to vector<2000x128xf32>
    %sub3A_51 = arith.subf %add3A_12, %sub3A_50 : vector<2000x128xf32>
    %sub3A_52 = arith.constant 2.000000e+00 : f32
    %sub3A_53 = vector.broadcast %sub3A_52 : f32 to vector<2000x128xf32>
    %sub3A_54 = arith.subf %add3A_12, %sub3A_53 : vector<2000x128xf32>
    %sub3A_55 = arith.constant 2.500000e+00 : f32
    %sub3A_56 = vector.broadcast %sub3A_55 : f32 to vector<2000x128xf32>
    %sub3A_57 = arith.subf %add3A_12, %sub3A_56 : vector<2000x128xf32>
    %ge3A = arith.constant -2.500000e+00 : f32
    %ge3A_58 = vector.broadcast %ge3A : f32 to vector<2000x128xf32>
    %ge3A_59 = arith.cmpf oge, %add3A_12, %ge3A_58 : vector<2000x128xf32>
    %convert_element_type3A = arith.extui %ge3A_59 : vector<2000x128xi1> to vector<2000x128xi32>
    %convert_element_type3A_60 = arith.sitofp %convert_element_type3A : vector<2000x128xi32> to vector<2000x128xf32>
    %ge3A_61 = arith.constant -2.000000e+00 : f32
    %ge3A_62 = vector.broadcast %ge3A_61 : f32 to vector<2000x128xf32>
    %ge3A_63 = arith.cmpf oge, %add3A_12, %ge3A_62 : vector<2000x128xf32>
    %convert_element_type3A_64 = arith.extui %ge3A_63 : vector<2000x128xi1> to vector<2000x128xi32>
    %convert_element_type3A_65 = arith.sitofp %convert_element_type3A_64 : vector<2000x128xi32> to vector<2000x128xf32>
    %ge3A_66 = arith.constant -1.500000e+00 : f32
    %ge3A_67 = vector.broadcast %ge3A_66 : f32 to vector<2000x128xf32>
    %ge3A_68 = arith.cmpf oge, %add3A_12, %ge3A_67 : vector<2000x128xf32>
    %convert_element_type3A_69 = arith.extui %ge3A_68 : vector<2000x128xi1> to vector<2000x128xi32>
    %convert_element_type3A_70 = arith.sitofp %convert_element_type3A_69 : vector<2000x128xi32> to vector<2000x128xf32>
    %ge3A_71 = arith.constant -1.000000e+00 : f32
    %ge3A_72 = vector.broadcast %ge3A_71 : f32 to vector<2000x128xf32>
    %ge3A_73 = arith.cmpf oge, %add3A_12, %ge3A_72 : vector<2000x128xf32>
    %convert_element_type3A_74 = arith.extui %ge3A_73 : vector<2000x128xi1> to vector<2000x128xi32>
    %convert_element_type3A_75 = arith.sitofp %convert_element_type3A_74 : vector<2000x128xi32> to vector<2000x128xf32>
    %ge3A_76 = arith.constant -5.000000e-01 : f32
    %ge3A_77 = vector.broadcast %ge3A_76 : f32 to vector<2000x128xf32>
    %ge3A_78 = arith.cmpf oge, %add3A_12, %ge3A_77 : vector<2000x128xf32>
    %convert_element_type3A_79 = arith.extui %ge3A_78 : vector<2000x128xi1> to vector<2000x128xi32>
    %convert_element_type3A_80 = arith.sitofp %convert_element_type3A_79 : vector<2000x128xi32> to vector<2000x128xf32>
    %ge3A_81 = arith.constant 0.000000e+00 : f32
    %ge3A_82 = vector.broadcast %ge3A_81 : f32 to vector<2000x128xf32>
    %ge3A_83 = arith.cmpf oge, %add3A_12, %ge3A_82 : vector<2000x128xf32>
    %convert_element_type3A_84 = arith.extui %ge3A_83 : vector<2000x128xi1> to vector<2000x128xi32>
    %convert_element_type3A_85 = arith.sitofp %convert_element_type3A_84 : vector<2000x128xi32> to vector<2000x128xf32>
    %ge3A_86 = arith.constant 5.000000e-01 : f32
    %ge3A_87 = vector.broadcast %ge3A_86 : f32 to vector<2000x128xf32>
    %ge3A_88 = arith.cmpf oge, %add3A_12, %ge3A_87 : vector<2000x128xf32>
    %convert_element_type3A_89 = arith.extui %ge3A_88 : vector<2000x128xi1> to vector<2000x128xi32>
    %convert_element_type3A_90 = arith.sitofp %convert_element_type3A_89 : vector<2000x128xi32> to vector<2000x128xf32>
    %ge3A_91 = arith.constant 1.000000e+00 : f32
    %ge3A_92 = vector.broadcast %ge3A_91 : f32 to vector<2000x128xf32>
    %ge3A_93 = arith.cmpf oge, %add3A_12, %ge3A_92 : vector<2000x128xf32>
    %convert_element_type3A_94 = arith.extui %ge3A_93 : vector<2000x128xi1> to vector<2000x128xi32>
    %convert_element_type3A_95 = arith.sitofp %convert_element_type3A_94 : vector<2000x128xi32> to vector<2000x128xf32>
    %ge3A_96 = arith.constant 1.500000e+00 : f32
    %ge3A_97 = vector.broadcast %ge3A_96 : f32 to vector<2000x128xf32>
    %ge3A_98 = arith.cmpf oge, %add3A_12, %ge3A_97 : vector<2000x128xf32>
    %convert_element_type3A_99 = arith.extui %ge3A_98 : vector<2000x128xi1> to vector<2000x128xi32>
    %convert_element_type3A_100 = arith.sitofp %convert_element_type3A_99 : vector<2000x128xi32> to vector<2000x128xf32>
    %ge3A_101 = arith.constant 2.000000e+00 : f32
    %ge3A_102 = vector.broadcast %ge3A_101 : f32 to vector<2000x128xf32>
    %ge3A_103 = arith.cmpf oge, %add3A_12, %ge3A_102 : vector<2000x128xf32>
    %convert_element_type3A_104 = arith.extui %ge3A_103 : vector<2000x128xi1> to vector<2000x128xi32>
    %convert_element_type3A_105 = arith.sitofp %convert_element_type3A_104 : vector<2000x128xi32> to vector<2000x128xf32>
    %ge3A_106 = arith.constant 2.500000e+00 : f32
    %ge3A_107 = vector.broadcast %ge3A_106 : f32 to vector<2000x128xf32>
    %ge3A_108 = arith.cmpf oge, %add3A_12, %ge3A_107 : vector<2000x128xf32>
    %convert_element_type3A_109 = arith.extui %ge3A_108 : vector<2000x128xi1> to vector<2000x128xi32>
    %convert_element_type3A_110 = arith.sitofp %convert_element_type3A_109 : vector<2000x128xi32> to vector<2000x128xf32>
    %sub3A_111 = arith.subf %convert_element_type3A_60, %convert_element_type3A_65 : vector<2000x128xf32>
    %sub3A_112 = arith.subf %convert_element_type3A_65, %convert_element_type3A_70 : vector<2000x128xf32>
    %sub3A_113 = arith.subf %convert_element_type3A_70, %convert_element_type3A_75 : vector<2000x128xf32>
    %sub3A_114 = arith.subf %convert_element_type3A_75, %convert_element_type3A_80 : vector<2000x128xf32>
    %sub3A_115 = arith.subf %convert_element_type3A_80, %convert_element_type3A_85 : vector<2000x128xf32>
    %sub3A_116 = arith.subf %convert_element_type3A_85, %convert_element_type3A_90 : vector<2000x128xf32>
    %sub3A_117 = arith.subf %convert_element_type3A_90, %convert_element_type3A_95 : vector<2000x128xf32>
    %sub3A_118 = arith.subf %convert_element_type3A_95, %convert_element_type3A_100 : vector<2000x128xf32>
    %sub3A_119 = arith.subf %convert_element_type3A_100, %convert_element_type3A_105 : vector<2000x128xf32>
    %sub3A_120 = arith.subf %convert_element_type3A_105, %convert_element_type3A_110 : vector<2000x128xf32>
    %mul3A_121 = arith.mulf %sub3A_27, %sub3A_111 : vector<2000x128xf32>
    %mul3A_122 = arith.mulf %sub3A_33, %sub3A_112 : vector<2000x128xf32>
    %sub3A_123 = arith.subf %mul3A_121, %mul3A_122 : vector<2000x128xf32>
    %mul3A_124 = arith.constant 2.000000e+00 : f32
    %mul3A_125 = vector.broadcast %mul3A_124 : f32 to vector<2000x128xf32>
    %mul3A_126 = arith.mulf %sub3A_123, %mul3A_125 : vector<2000x128xf32>
    %mul3A_127 = arith.mulf %sub3A_30, %sub3A_112 : vector<2000x128xf32>
    %mul3A_128 = arith.mulf %sub3A_36, %sub3A_113 : vector<2000x128xf32>
    %sub3A_129 = arith.subf %mul3A_127, %mul3A_128 : vector<2000x128xf32>
    %mul3A_130 = arith.constant 2.000000e+00 : f32
    %mul3A_131 = vector.broadcast %mul3A_130 : f32 to vector<2000x128xf32>
    %mul3A_132 = arith.mulf %sub3A_129, %mul3A_131 : vector<2000x128xf32>
    %mul3A_133 = arith.mulf %sub3A_33, %sub3A_113 : vector<2000x128xf32>
    %mul3A_134 = arith.mulf %sub3A_39, %sub3A_114 : vector<2000x128xf32>
    %sub3A_135 = arith.subf %mul3A_133, %mul3A_134 : vector<2000x128xf32>
    %mul3A_136 = arith.constant 2.000000e+00 : f32
    %mul3A_137 = vector.broadcast %mul3A_136 : f32 to vector<2000x128xf32>
    %mul3A_138 = arith.mulf %sub3A_135, %mul3A_137 : vector<2000x128xf32>
    %mul3A_139 = arith.mulf %sub3A_36, %sub3A_114 : vector<2000x128xf32>
    %mul3A_140 = arith.mulf %sub3A_42, %sub3A_115 : vector<2000x128xf32>
    %sub3A_141 = arith.subf %mul3A_139, %mul3A_140 : vector<2000x128xf32>
    %mul3A_142 = arith.constant 2.000000e+00 : f32
    %mul3A_143 = vector.broadcast %mul3A_142 : f32 to vector<2000x128xf32>
    %mul3A_144 = arith.mulf %sub3A_141, %mul3A_143 : vector<2000x128xf32>
    %mul3A_145 = arith.mulf %sub3A_39, %sub3A_115 : vector<2000x128xf32>
    %mul3A_146 = arith.mulf %sub3A_45, %sub3A_116 : vector<2000x128xf32>
    %sub3A_147 = arith.subf %mul3A_145, %mul3A_146 : vector<2000x128xf32>
    %mul3A_148 = arith.constant 2.000000e+00 : f32
    %mul3A_149 = vector.broadcast %mul3A_148 : f32 to vector<2000x128xf32>
    %mul3A_150 = arith.mulf %sub3A_147, %mul3A_149 : vector<2000x128xf32>
    %mul3A_151 = arith.mulf %sub3A_42, %sub3A_116 : vector<2000x128xf32>
    %mul3A_152 = arith.mulf %sub3A_48, %sub3A_117 : vector<2000x128xf32>
    %sub3A_153 = arith.subf %mul3A_151, %mul3A_152 : vector<2000x128xf32>
    %mul3A_154 = arith.constant 2.000000e+00 : f32
    %mul3A_155 = vector.broadcast %mul3A_154 : f32 to vector<2000x128xf32>
    %mul3A_156 = arith.mulf %sub3A_153, %mul3A_155 : vector<2000x128xf32>
    %mul3A_157 = arith.mulf %sub3A_45, %sub3A_117 : vector<2000x128xf32>
    %mul3A_158 = arith.mulf %sub3A_51, %sub3A_118 : vector<2000x128xf32>
    %sub3A_159 = arith.subf %mul3A_157, %mul3A_158 : vector<2000x128xf32>
    %mul3A_160 = arith.constant 2.000000e+00 : f32
    %mul3A_161 = vector.broadcast %mul3A_160 : f32 to vector<2000x128xf32>
    %mul3A_162 = arith.mulf %sub3A_159, %mul3A_161 : vector<2000x128xf32>
    %mul3A_163 = arith.mulf %sub3A_48, %sub3A_118 : vector<2000x128xf32>
    %mul3A_164 = arith.mulf %sub3A_54, %sub3A_119 : vector<2000x128xf32>
    %sub3A_165 = arith.subf %mul3A_163, %mul3A_164 : vector<2000x128xf32>
    %mul3A_166 = arith.constant 2.000000e+00 : f32
    %mul3A_167 = vector.broadcast %mul3A_166 : f32 to vector<2000x128xf32>
    %mul3A_168 = arith.mulf %sub3A_165, %mul3A_167 : vector<2000x128xf32>
    %mul3A_169 = arith.mulf %sub3A_51, %sub3A_119 : vector<2000x128xf32>
    %mul3A_170 = arith.mulf %sub3A_57, %sub3A_120 : vector<2000x128xf32>
    %sub3A_171 = arith.subf %mul3A_169, %mul3A_170 : vector<2000x128xf32>
    %mul3A_172 = arith.constant 2.000000e+00 : f32
    %mul3A_173 = vector.broadcast %mul3A_172 : f32 to vector<2000x128xf32>
    %mul3A_174 = arith.mulf %sub3A_171, %mul3A_173 : vector<2000x128xf32>
    %mul3A_175 = arith.mulf %sub3A_27, %mul3A_126 : vector<2000x128xf32>
    %mul3A_176 = arith.mulf %sub3A_36, %mul3A_132 : vector<2000x128xf32>
    %sub3A_177 = arith.subf %mul3A_175, %mul3A_176 : vector<2000x128xf32>
    %mul3A_178 = arith.constant 1.000000e+00 : f32
    %mul3A_179 = vector.broadcast %mul3A_178 : f32 to vector<2000x128xf32>
    %mul3A_180 = arith.mulf %sub3A_177, %mul3A_179 : vector<2000x128xf32>
    %mul3A_181 = arith.mulf %sub3A_30, %mul3A_132 : vector<2000x128xf32>
    %mul3A_182 = arith.mulf %sub3A_39, %mul3A_138 : vector<2000x128xf32>
    %sub3A_183 = arith.subf %mul3A_181, %mul3A_182 : vector<2000x128xf32>
    %mul3A_184 = arith.constant 1.000000e+00 : f32
    %mul3A_185 = vector.broadcast %mul3A_184 : f32 to vector<2000x128xf32>
    %mul3A_186 = arith.mulf %sub3A_183, %mul3A_185 : vector<2000x128xf32>
    %mul3A_187 = arith.mulf %sub3A_33, %mul3A_138 : vector<2000x128xf32>
    %mul3A_188 = arith.mulf %sub3A_42, %mul3A_144 : vector<2000x128xf32>
    %sub3A_189 = arith.subf %mul3A_187, %mul3A_188 : vector<2000x128xf32>
    %mul3A_190 = arith.constant 1.000000e+00 : f32
    %mul3A_191 = vector.broadcast %mul3A_190 : f32 to vector<2000x128xf32>
    %mul3A_192 = arith.mulf %sub3A_189, %mul3A_191 : vector<2000x128xf32>
    %mul3A_193 = arith.mulf %sub3A_36, %mul3A_144 : vector<2000x128xf32>
    %mul3A_194 = arith.mulf %sub3A_45, %mul3A_150 : vector<2000x128xf32>
    %sub3A_195 = arith.subf %mul3A_193, %mul3A_194 : vector<2000x128xf32>
    %mul3A_196 = arith.constant 1.000000e+00 : f32
    %mul3A_197 = vector.broadcast %mul3A_196 : f32 to vector<2000x128xf32>
    %mul3A_198 = arith.mulf %sub3A_195, %mul3A_197 : vector<2000x128xf32>
    %mul3A_199 = arith.mulf %sub3A_39, %mul3A_150 : vector<2000x128xf32>
    %mul3A_200 = arith.mulf %sub3A_48, %mul3A_156 : vector<2000x128xf32>
    %sub3A_201 = arith.subf %mul3A_199, %mul3A_200 : vector<2000x128xf32>
    %mul3A_202 = arith.constant 1.000000e+00 : f32
    %mul3A_203 = vector.broadcast %mul3A_202 : f32 to vector<2000x128xf32>
    %mul3A_204 = arith.mulf %sub3A_201, %mul3A_203 : vector<2000x128xf32>
    %mul3A_205 = arith.mulf %sub3A_42, %mul3A_156 : vector<2000x128xf32>
    %mul3A_206 = arith.mulf %sub3A_51, %mul3A_162 : vector<2000x128xf32>
    %sub3A_207 = arith.subf %mul3A_205, %mul3A_206 : vector<2000x128xf32>
    %mul3A_208 = arith.constant 1.000000e+00 : f32
    %mul3A_209 = vector.broadcast %mul3A_208 : f32 to vector<2000x128xf32>
    %mul3A_210 = arith.mulf %sub3A_207, %mul3A_209 : vector<2000x128xf32>
    %mul3A_211 = arith.mulf %sub3A_45, %mul3A_162 : vector<2000x128xf32>
    %mul3A_212 = arith.mulf %sub3A_54, %mul3A_168 : vector<2000x128xf32>
    %sub3A_213 = arith.subf %mul3A_211, %mul3A_212 : vector<2000x128xf32>
    %mul3A_214 = arith.constant 1.000000e+00 : f32
    %mul3A_215 = vector.broadcast %mul3A_214 : f32 to vector<2000x128xf32>
    %mul3A_216 = arith.mulf %sub3A_213, %mul3A_215 : vector<2000x128xf32>
    %mul3A_217 = arith.mulf %sub3A_48, %mul3A_168 : vector<2000x128xf32>
    %mul3A_218 = arith.mulf %sub3A_57, %mul3A_174 : vector<2000x128xf32>
    %sub3A_219 = arith.subf %mul3A_217, %mul3A_218 : vector<2000x128xf32>
    %mul3A_220 = arith.constant 1.000000e+00 : f32
    %mul3A_221 = vector.broadcast %mul3A_220 : f32 to vector<2000x128xf32>
    %mul3A_222 = arith.mulf %sub3A_219, %mul3A_221 : vector<2000x128xf32>
    %mul3A_223 = arith.mulf %sub3A_27, %mul3A_180 : vector<2000x128xf32>
    %mul3A_224 = arith.mulf %sub3A_39, %mul3A_186 : vector<2000x128xf32>
    %sub3A_225 = arith.subf %mul3A_223, %mul3A_224 : vector<2000x128xf32>
    %mul3A_226 = arith.constant 0.666666686 : f32
    %mul3A_227 = vector.broadcast %mul3A_226 : f32 to vector<2000x128xf32>
    %mul3A_228 = arith.mulf %sub3A_225, %mul3A_227 : vector<2000x128xf32>
    %mul3A_229 = arith.mulf %sub3A_30, %mul3A_186 : vector<2000x128xf32>
    %mul3A_230 = arith.mulf %sub3A_42, %mul3A_192 : vector<2000x128xf32>
    %sub3A_231 = arith.subf %mul3A_229, %mul3A_230 : vector<2000x128xf32>
    %mul3A_232 = arith.constant 0.666666686 : f32
    %mul3A_233 = vector.broadcast %mul3A_232 : f32 to vector<2000x128xf32>
    %mul3A_234 = arith.mulf %sub3A_231, %mul3A_233 : vector<2000x128xf32>
    %mul3A_235 = arith.mulf %sub3A_33, %mul3A_192 : vector<2000x128xf32>
    %mul3A_236 = arith.mulf %sub3A_45, %mul3A_198 : vector<2000x128xf32>
    %sub3A_237 = arith.subf %mul3A_235, %mul3A_236 : vector<2000x128xf32>
    %mul3A_238 = arith.constant 0.666666686 : f32
    %mul3A_239 = vector.broadcast %mul3A_238 : f32 to vector<2000x128xf32>
    %mul3A_240 = arith.mulf %sub3A_237, %mul3A_239 : vector<2000x128xf32>
    %mul3A_241 = arith.mulf %sub3A_36, %mul3A_198 : vector<2000x128xf32>
    %mul3A_242 = arith.mulf %sub3A_48, %mul3A_204 : vector<2000x128xf32>
    %sub3A_243 = arith.subf %mul3A_241, %mul3A_242 : vector<2000x128xf32>
    %mul3A_244 = arith.constant 0.666666686 : f32
    %mul3A_245 = vector.broadcast %mul3A_244 : f32 to vector<2000x128xf32>
    %mul3A_246 = arith.mulf %sub3A_243, %mul3A_245 : vector<2000x128xf32>
    %mul3A_247 = arith.mulf %sub3A_39, %mul3A_204 : vector<2000x128xf32>
    %mul3A_248 = arith.mulf %sub3A_51, %mul3A_210 : vector<2000x128xf32>
    %sub3A_249 = arith.subf %mul3A_247, %mul3A_248 : vector<2000x128xf32>
    %mul3A_250 = arith.constant 0.666666686 : f32
    %mul3A_251 = vector.broadcast %mul3A_250 : f32 to vector<2000x128xf32>
    %mul3A_252 = arith.mulf %sub3A_249, %mul3A_251 : vector<2000x128xf32>
    %mul3A_253 = arith.mulf %sub3A_42, %mul3A_210 : vector<2000x128xf32>
    %mul3A_254 = arith.mulf %sub3A_54, %mul3A_216 : vector<2000x128xf32>
    %sub3A_255 = arith.subf %mul3A_253, %mul3A_254 : vector<2000x128xf32>
    %mul3A_256 = arith.constant 0.666666686 : f32
    %mul3A_257 = vector.broadcast %mul3A_256 : f32 to vector<2000x128xf32>
    %mul3A_258 = arith.mulf %sub3A_255, %mul3A_257 : vector<2000x128xf32>
    %mul3A_259 = arith.mulf %sub3A_45, %mul3A_216 : vector<2000x128xf32>
    %mul3A_260 = arith.mulf %sub3A_57, %mul3A_222 : vector<2000x128xf32>
    %sub3A_261 = arith.subf %mul3A_259, %mul3A_260 : vector<2000x128xf32>
    %mul3A_262 = arith.constant 0.666666686 : f32
    %mul3A_263 = vector.broadcast %mul3A_262 : f32 to vector<2000x128xf32>
    %mul3A_264 = arith.mulf %sub3A_261, %mul3A_263 : vector<2000x128xf32>
    %get3A_265 = arith.constant 0 : index
    %get3A_266 = arith.constant 0 : index
    %get3A_267 = arith.constant 0 : index
    %get3A_268 = vector.load %arg4[%get3A_265, %get3A_266, %get3A_267] : memref<7x128x128xf32, #tpu.memory_space<vmem>>, vector<1x128x128xf32>
    %get3A_269 = vector.shape_cast %get3A_268 : vector<1x128x128xf32> to vector<128x128xf32>
    %dot_general3A_270 = arith.constant dense<0.000000e+00> : vector<2000x128xf32>
    %dot_general3A_271 = tpu.matmul %mul3A_228, %get3A_269, %dot_general3A_270 {dimension_numbers = #tpu.dot_dimension_numbers<[1], [0], [0], [1], [0, 0, 1, 1], [], []>, transpose_lhs_hint = false} : vector<2000x128xf32>, vector<128x128xf32>, vector<2000x128xf32> -> vector<2000x128xf32>
    %add3A_272 = arith.addf %dot_general3A_25, %dot_general3A_271 : vector<2000x128xf32>
    %get3A_273 = arith.constant 1 : index
    %get3A_274 = arith.constant 0 : index
    %get3A_275 = arith.constant 0 : index
    %get3A_276 = vector.load %arg4[%get3A_273, %get3A_274, %get3A_275] : memref<7x128x128xf32, #tpu.memory_space<vmem>>, vector<1x128x128xf32>
    %get3A_277 = vector.shape_cast %get3A_276 : vector<1x128x128xf32> to vector<128x128xf32>
    %dot_general3A_278 = arith.constant dense<0.000000e+00> : vector<2000x128xf32>
    %dot_general3A_279 = tpu.matmul %mul3A_234, %get3A_277, %dot_general3A_278 {dimension_numbers = #tpu.dot_dimension_numbers<[1], [0], [0], [1], [0, 0, 1, 1], [], []>, transpose_lhs_hint = false} : vector<2000x128xf32>, vector<128x128xf32>, vector<2000x128xf32> -> vector<2000x128xf32>
    %add3A_280 = arith.addf %add3A_272, %dot_general3A_279 : vector<2000x128xf32>
    %get3A_281 = arith.constant 2 : index
    %get3A_282 = arith.constant 0 : index
    %get3A_283 = arith.constant 0 : index
    %get3A_284 = vector.load %arg4[%get3A_281, %get3A_282, %get3A_283] : memref<7x128x128xf32, #tpu.memory_space<vmem>>, vector<1x128x128xf32>
    %get3A_285 = vector.shape_cast %get3A_284 : vector<1x128x128xf32> to vector<128x128xf32>
    %dot_general3A_286 = arith.constant dense<0.000000e+00> : vector<2000x128xf32>
    %dot_general3A_287 = tpu.matmul %mul3A_240, %get3A_285, %dot_general3A_286 {dimension_numbers = #tpu.dot_dimension_numbers<[1], [0], [0], [1], [0, 0, 1, 1], [], []>, transpose_lhs_hint = false} : vector<2000x128xf32>, vector<128x128xf32>, vector<2000x128xf32> -> vector<2000x128xf32>
    %add3A_288 = arith.addf %add3A_280, %dot_general3A_287 : vector<2000x128xf32>
    %get3A_289 = arith.constant 3 : index
    %get3A_290 = arith.constant 0 : index
    %get3A_291 = arith.constant 0 : index
    %get3A_292 = vector.load %arg4[%get3A_289, %get3A_290, %get3A_291] : memref<7x128x128xf32, #tpu.memory_space<vmem>>, vector<1x128x128xf32>
    %get3A_293 = vector.shape_cast %get3A_292 : vector<1x128x128xf32> to vector<128x128xf32>
    %dot_general3A_294 = arith.constant dense<0.000000e+00> : vector<2000x128xf32>
    %dot_general3A_295 = tpu.matmul %mul3A_246, %get3A_293, %dot_general3A_294 {dimension_numbers = #tpu.dot_dimension_numbers<[1], [0], [0], [1], [0, 0, 1, 1], [], []>, transpose_lhs_hint = false} : vector<2000x128xf32>, vector<128x128xf32>, vector<2000x128xf32> -> vector<2000x128xf32>
    %add3A_296 = arith.addf %add3A_288, %dot_general3A_295 : vector<2000x128xf32>
    %get3A_297 = arith.constant 4 : index
    %get3A_298 = arith.constant 0 : index
    %get3A_299 = arith.constant 0 : index
    %get3A_300 = vector.load %arg4[%get3A_297, %get3A_298, %get3A_299] : memref<7x128x128xf32, #tpu.memory_space<vmem>>, vector<1x128x128xf32>
    %get3A_301 = vector.shape_cast %get3A_300 : vector<1x128x128xf32> to vector<128x128xf32>
    %dot_general3A_302 = arith.constant dense<0.000000e+00> : vector<2000x128xf32>
    %dot_general3A_303 = tpu.matmul %mul3A_252, %get3A_301, %dot_general3A_302 {dimension_numbers = #tpu.dot_dimension_numbers<[1], [0], [0], [1], [0, 0, 1, 1], [], []>, transpose_lhs_hint = false} : vector<2000x128xf32>, vector<128x128xf32>, vector<2000x128xf32> -> vector<2000x128xf32>
    %add3A_304 = arith.addf %add3A_296, %dot_general3A_303 : vector<2000x128xf32>
    %get3A_305 = arith.constant 5 : index
    %get3A_306 = arith.constant 0 : index
    %get3A_307 = arith.constant 0 : index
    %get3A_308 = vector.load %arg4[%get3A_305, %get3A_306, %get3A_307] : memref<7x128x128xf32, #tpu.memory_space<vmem>>, vector<1x128x128xf32>
    %get3A_309 = vector.shape_cast %get3A_308 : vector<1x128x128xf32> to vector<128x128xf32>
    %dot_general3A_310 = arith.constant dense<0.000000e+00> : vector<2000x128xf32>
    %dot_general3A_311 = tpu.matmul %mul3A_258, %get3A_309, %dot_general3A_310 {dimension_numbers = #tpu.dot_dimension_numbers<[1], [0], [0], [1], [0, 0, 1, 1], [], []>, transpose_lhs_hint = false} : vector<2000x128xf32>, vector<128x128xf32>, vector<2000x128xf32> -> vector<2000x128xf32>
    %add3A_312 = arith.addf %add3A_304, %dot_general3A_311 : vector<2000x128xf32>
    %get3A_313 = arith.constant 6 : index
    %get3A_314 = arith.constant 0 : index
    %get3A_315 = arith.constant 0 : index
    %get3A_316 = vector.load %arg4[%get3A_313, %get3A_314, %get3A_315] : memref<7x128x128xf32, #tpu.memory_space<vmem>>, vector<1x128x128xf32>
    %get3A_317 = vector.shape_cast %get3A_316 : vector<1x128x128xf32> to vector<128x128xf32>
    %dot_general3A_318 = arith.constant dense<0.000000e+00> : vector<2000x128xf32>
    %dot_general3A_319 = tpu.matmul %mul3A_264, %get3A_317, %dot_general3A_318 {dimension_numbers = #tpu.dot_dimension_numbers<[1], [0], [0], [1], [0, 0, 1, 1], [], []>, transpose_lhs_hint = false} : vector<2000x128xf32>, vector<128x128xf32>, vector<2000x128xf32> -> vector<2000x128xf32>
    %add3A_320 = arith.addf %add3A_312, %dot_general3A_319 : vector<2000x128xf32>
    %swap3A_321 = arith.constant 0 : index
    %swap3A_322 = arith.constant 0 : index
    %swap3A_323 = vector.load %arg6[%swap3A_321, %swap3A_322] : memref<2000x128xf32, #tpu.memory_space<vmem>>, vector<2000x128xf32>
    tpu.vector_store %arg6[%swap3A_321, %swap3A_322], %add3A_320 {strides = array<i32>} : memref<2000x128xf32, #tpu.memory_space<vmem>>, vector<2000x128xf32>,
    return
  }
  func.func @transform_0(%arg0: i32) -> (i32, i32) {
    %c0_i32 = arith.constant 0 : i32
    %c0_i32_0 = arith.constant 0 : i32
    return %arg0, %c0_i32 : i32, i32
  }
  func.func @transform_1(%arg0: i32) -> (i32, i32, i32) {
    %c0_i32 = arith.constant 0 : i32
    %c0_i32_0 = arith.constant 0 : i32
    %c0_i32_1 = arith.constant 0 : i32
    return %c0_i32, %arg0, %c0_i32_0 : i32, i32, i32
  }
  func.func @transform_2(%arg0: i32) -> (i32, i32) {
    %c0_i32 = arith.constant 0 : i32
    %c0_i32_0 = arith.constant 0 : i32
    %c0_i32_1 = arith.constant 0 : i32
    return %c0_i32, %c0_i32_0 : i32, i32
  }
  func.func @transform_3(%arg0: i32) -> (i32, i32, i32) {
    %c0_i32 = arith.constant 0 : i32
    %c0_i32_0 = arith.constant 0 : i32
    %c0_i32_1 = arith.constant 0 : i32
    %c0_i32_2 = arith.constant 0 : i32
    return %c0_i32, %c0_i32_0, %c0_i32_1 : i32, i32, i32
  }
  func.func @transform_4(%arg0: i32) -> (i32, i32) {
    %c0_i32 = arith.constant 0 : i32
    %c0_i32_0 = arith.constant 0 : i32
    return %arg0, %c0_i32 : i32, i32
  }
  func.func @transform_5(%arg0: i32) -> (i32, i32) {
    %c0_i32 = arith.constant 0 : i32
    %c0_i32_0 = arith.constant 0 : i32
    return %arg0, %c0_i32 : i32, i32
  }
}

module attributes {stable_mosaic.version = 14 : i64} {
  func.func @_kan2_body(%arg0: i32, %arg1: memref<2000x128xf32, #tpu.memory_space<vmem>>, %arg2: memref<2000x128xf32, #tpu.memory_space<vmem>>, %arg3: memref<2x2000x128xf32, #tpu.memory_space<vmem>>, %arg4: memref<128x64xf32, #tpu.memory_space<vmem>>, %arg5: memref<128x64xf32, #tpu.memory_space<vmem>>, %arg6: memref<7x128x64xf32, #tpu.memory_space<vmem>>, %arg7: memref<7x128x64xf32, #tpu.memory_space<vmem>>, %arg8: memref<2000x64xf32, #tpu.memory_space<vmem>>) attributes {dimension_semantics = [#tpu.dimension_semantics<arbitrary>], iteration_bounds = array<i64: 5>, scalar_prefetch = 0 : i64, scratch_operands = 0 : i64, tpu.core_type = #tpu.core_type<tc>, window_params = [{transform_indices = @transform_0, window_bounds = array<i64: 2000, 128>}, {transform_indices = @transform_1, window_bounds = array<i64: 2000, 128>}, {transform_indices = @transform_2, window_bounds = array<i64: 2, 2000, 128>}, {pipeline_mode = #tpu.pipeline_mode<synchronous>, transform_indices = @transform_3, window_bounds = array<i64: 128, 64>}, {pipeline_mode = #tpu.pipeline_mode<synchronous>, transform_indices = @transform_4, window_bounds = array<i64: 128, 64>}, {pipeline_mode = #tpu.pipeline_mode<synchronous>, transform_indices = @transform_5, window_bounds = array<i64: 7, 128, 64>}, {pipeline_mode = #tpu.pipeline_mode<synchronous>, transform_indices = @transform_6, window_bounds = array<i64: 7, 128, 64>}, {transform_indices = @transform_7, window_bounds = array<i64: 2000, 64>}]} {
    %get3A = arith.constant 0 : index
    %get3A_0 = arith.constant 0 : index
    %get3A_1 = vector.load %arg1[%get3A, %get3A_0] : memref<2000x128xf32, #tpu.memory_space<vmem>>, vector<2000x128xf32>
    %get3A_2 = arith.constant 0 : index
    %get3A_3 = arith.constant 0 : index
    %get3A_4 = vector.load %arg2[%get3A_2, %get3A_3] : memref<2000x128xf32, #tpu.memory_space<vmem>>, vector<2000x128xf32>
    %get3A_5 = arith.constant 0 : index
    %get3A_6 = arith.constant 0 : index
    %get3A_7 = arith.constant 0 : index
    %get3A_8 = vector.load %arg3[%get3A_5, %get3A_6, %get3A_7] : memref<2x2000x128xf32, #tpu.memory_space<vmem>>, vector<1x2000x128xf32>
    %get3A_9 = vector.shape_cast %get3A_8 : vector<1x2000x128xf32> to vector<2000x128xf32>
    %add3A = arith.addf %get3A_4, %get3A_9 : vector<2000x128xf32>
    %get3A_10 = arith.constant 1 : index
    %get3A_11 = arith.constant 0 : index
    %get3A_12 = arith.constant 0 : index
    %get3A_13 = vector.load %arg3[%get3A_10, %get3A_11, %get3A_12] : memref<2x2000x128xf32, #tpu.memory_space<vmem>>, vector<1x2000x128xf32>
    %get3A_14 = vector.shape_cast %get3A_13 : vector<1x2000x128xf32> to vector<2000x128xf32>
    %add3A_15 = arith.addf %add3A, %get3A_14 : vector<2000x128xf32>
    %neg3A = arith.constant 0.000000e+00 : f32
    %neg3A_16 = vector.broadcast %neg3A : f32 to vector<2000x128xf32>
    %neg3A_17 = arith.subf %neg3A_16, %get3A_1 : vector<2000x128xf32>
    %exp3A = math.exp %neg3A_17 : vector<2000x128xf32>
    %add3A_18 = arith.constant 1.000000e+00 : f32
    %add3A_19 = vector.broadcast %add3A_18 : f32 to vector<2000x128xf32>
    %add3A_20 = arith.addf %add3A_19, %exp3A : vector<2000x128xf32>
    %div3A = arith.constant 1.000000e+00 : f32
    %div3A_21 = vector.broadcast %div3A : f32 to vector<2000x128xf32>
    %div3A_22 = arith.divf %div3A_21, %add3A_20 : vector<2000x128xf32>
    %mul3A = arith.mulf %get3A_1, %div3A_22 : vector<2000x128xf32>
    %get3A_23 = arith.constant 0 : index
    %get3A_24 = arith.constant 0 : index
    %get3A_25 = vector.load %arg4[%get3A_23, %get3A_24] : memref<128x64xf32, #tpu.memory_space<vmem>>, vector<128x64xf32>
    %dot_general3A = arith.constant dense<0.000000e+00> : vector<2000x64xf32>
    %dot_general3A_26 = tpu.matmul %mul3A, %get3A_25, %dot_general3A {dimension_numbers = #tpu.dot_dimension_numbers<[1], [0], [0], [1], [0, 0, 1, 1], [], []>, transpose_lhs_hint = false} : vector<2000x128xf32>, vector<128x64xf32>, vector<2000x64xf32> -> vector<2000x64xf32>
    %neg3A_27 = arith.constant 0.000000e+00 : f32
    %neg3A_28 = vector.broadcast %neg3A_27 : f32 to vector<2000x128xf32>
    %neg3A_29 = arith.subf %neg3A_28, %add3A_15 : vector<2000x128xf32>
    %exp3A_30 = math.exp %neg3A_29 : vector<2000x128xf32>
    %add3A_31 = arith.constant 1.000000e+00 : f32
    %add3A_32 = vector.broadcast %add3A_31 : f32 to vector<2000x128xf32>
    %add3A_33 = arith.addf %add3A_32, %exp3A_30 : vector<2000x128xf32>
    %div3A_34 = arith.constant 1.000000e+00 : f32
    %div3A_35 = vector.broadcast %div3A_34 : f32 to vector<2000x128xf32>
    %div3A_36 = arith.divf %div3A_35, %add3A_33 : vector<2000x128xf32>
    %mul3A_37 = arith.mulf %add3A_15, %div3A_36 : vector<2000x128xf32>
    %get3A_38 = arith.constant 0 : index
    %get3A_39 = arith.constant 0 : index
    %get3A_40 = vector.load %arg5[%get3A_38, %get3A_39] : memref<128x64xf32, #tpu.memory_space<vmem>>, vector<128x64xf32>
    %dot_general3A_41 = arith.constant dense<0.000000e+00> : vector<2000x64xf32>
    %dot_general3A_42 = tpu.matmul %mul3A_37, %get3A_40, %dot_general3A_41 {dimension_numbers = #tpu.dot_dimension_numbers<[1], [0], [0], [1], [0, 0, 1, 1], [], []>, transpose_lhs_hint = false} : vector<2000x128xf32>, vector<128x64xf32>, vector<2000x64xf32> -> vector<2000x64xf32>
    %add3A_43 = arith.addf %dot_general3A_26, %dot_general3A_42 : vector<2000x64xf32>
    %sub3A = arith.constant -2.500000e+00 : f32
    %sub3A_44 = vector.broadcast %sub3A : f32 to vector<2000x128xf32>
    %sub3A_45 = arith.subf %get3A_1, %sub3A_44 : vector<2000x128xf32>
    %sub3A_46 = arith.constant -2.000000e+00 : f32
    %sub3A_47 = vector.broadcast %sub3A_46 : f32 to vector<2000x128xf32>
    %sub3A_48 = arith.subf %get3A_1, %sub3A_47 : vector<2000x128xf32>
    %sub3A_49 = arith.constant -1.500000e+00 : f32
    %sub3A_50 = vector.broadcast %sub3A_49 : f32 to vector<2000x128xf32>
    %sub3A_51 = arith.subf %get3A_1, %sub3A_50 : vector<2000x128xf32>
    %sub3A_52 = arith.constant -1.000000e+00 : f32
    %sub3A_53 = vector.broadcast %sub3A_52 : f32 to vector<2000x128xf32>
    %sub3A_54 = arith.subf %get3A_1, %sub3A_53 : vector<2000x128xf32>
    %sub3A_55 = arith.constant -5.000000e-01 : f32
    %sub3A_56 = vector.broadcast %sub3A_55 : f32 to vector<2000x128xf32>
    %sub3A_57 = arith.subf %get3A_1, %sub3A_56 : vector<2000x128xf32>
    %sub3A_58 = arith.constant 0.000000e+00 : f32
    %sub3A_59 = vector.broadcast %sub3A_58 : f32 to vector<2000x128xf32>
    %sub3A_60 = arith.subf %get3A_1, %sub3A_59 : vector<2000x128xf32>
    %sub3A_61 = arith.constant 5.000000e-01 : f32
    %sub3A_62 = vector.broadcast %sub3A_61 : f32 to vector<2000x128xf32>
    %sub3A_63 = arith.subf %get3A_1, %sub3A_62 : vector<2000x128xf32>
    %sub3A_64 = arith.constant 1.000000e+00 : f32
    %sub3A_65 = vector.broadcast %sub3A_64 : f32 to vector<2000x128xf32>
    %sub3A_66 = arith.subf %get3A_1, %sub3A_65 : vector<2000x128xf32>
    %sub3A_67 = arith.constant 1.500000e+00 : f32
    %sub3A_68 = vector.broadcast %sub3A_67 : f32 to vector<2000x128xf32>
    %sub3A_69 = arith.subf %get3A_1, %sub3A_68 : vector<2000x128xf32>
    %sub3A_70 = arith.constant 2.000000e+00 : f32
    %sub3A_71 = vector.broadcast %sub3A_70 : f32 to vector<2000x128xf32>
    %sub3A_72 = arith.subf %get3A_1, %sub3A_71 : vector<2000x128xf32>
    %sub3A_73 = arith.constant 2.500000e+00 : f32
    %sub3A_74 = vector.broadcast %sub3A_73 : f32 to vector<2000x128xf32>
    %sub3A_75 = arith.subf %get3A_1, %sub3A_74 : vector<2000x128xf32>
    %ge3A = arith.constant -2.500000e+00 : f32
    %ge3A_76 = vector.broadcast %ge3A : f32 to vector<2000x128xf32>
    %ge3A_77 = arith.cmpf oge, %get3A_1, %ge3A_76 : vector<2000x128xf32>
    %convert_element_type3A = arith.extui %ge3A_77 : vector<2000x128xi1> to vector<2000x128xi32>
    %convert_element_type3A_78 = arith.sitofp %convert_element_type3A : vector<2000x128xi32> to vector<2000x128xf32>
    %ge3A_79 = arith.constant -2.000000e+00 : f32
    %ge3A_80 = vector.broadcast %ge3A_79 : f32 to vector<2000x128xf32>
    %ge3A_81 = arith.cmpf oge, %get3A_1, %ge3A_80 : vector<2000x128xf32>
    %convert_element_type3A_82 = arith.extui %ge3A_81 : vector<2000x128xi1> to vector<2000x128xi32>
    %convert_element_type3A_83 = arith.sitofp %convert_element_type3A_82 : vector<2000x128xi32> to vector<2000x128xf32>
    %ge3A_84 = arith.constant -1.500000e+00 : f32
    %ge3A_85 = vector.broadcast %ge3A_84 : f32 to vector<2000x128xf32>
    %ge3A_86 = arith.cmpf oge, %get3A_1, %ge3A_85 : vector<2000x128xf32>
    %convert_element_type3A_87 = arith.extui %ge3A_86 : vector<2000x128xi1> to vector<2000x128xi32>
    %convert_element_type3A_88 = arith.sitofp %convert_element_type3A_87 : vector<2000x128xi32> to vector<2000x128xf32>
    %ge3A_89 = arith.constant -1.000000e+00 : f32
    %ge3A_90 = vector.broadcast %ge3A_89 : f32 to vector<2000x128xf32>
    %ge3A_91 = arith.cmpf oge, %get3A_1, %ge3A_90 : vector<2000x128xf32>
    %convert_element_type3A_92 = arith.extui %ge3A_91 : vector<2000x128xi1> to vector<2000x128xi32>
    %convert_element_type3A_93 = arith.sitofp %convert_element_type3A_92 : vector<2000x128xi32> to vector<2000x128xf32>
    %ge3A_94 = arith.constant -5.000000e-01 : f32
    %ge3A_95 = vector.broadcast %ge3A_94 : f32 to vector<2000x128xf32>
    %ge3A_96 = arith.cmpf oge, %get3A_1, %ge3A_95 : vector<2000x128xf32>
    %convert_element_type3A_97 = arith.extui %ge3A_96 : vector<2000x128xi1> to vector<2000x128xi32>
    %convert_element_type3A_98 = arith.sitofp %convert_element_type3A_97 : vector<2000x128xi32> to vector<2000x128xf32>
    %ge3A_99 = arith.constant 0.000000e+00 : f32
    %ge3A_100 = vector.broadcast %ge3A_99 : f32 to vector<2000x128xf32>
    %ge3A_101 = arith.cmpf oge, %get3A_1, %ge3A_100 : vector<2000x128xf32>
    %convert_element_type3A_102 = arith.extui %ge3A_101 : vector<2000x128xi1> to vector<2000x128xi32>
    %convert_element_type3A_103 = arith.sitofp %convert_element_type3A_102 : vector<2000x128xi32> to vector<2000x128xf32>
    %ge3A_104 = arith.constant 5.000000e-01 : f32
    %ge3A_105 = vector.broadcast %ge3A_104 : f32 to vector<2000x128xf32>
    %ge3A_106 = arith.cmpf oge, %get3A_1, %ge3A_105 : vector<2000x128xf32>
    %convert_element_type3A_107 = arith.extui %ge3A_106 : vector<2000x128xi1> to vector<2000x128xi32>
    %convert_element_type3A_108 = arith.sitofp %convert_element_type3A_107 : vector<2000x128xi32> to vector<2000x128xf32>
    %ge3A_109 = arith.constant 1.000000e+00 : f32
    %ge3A_110 = vector.broadcast %ge3A_109 : f32 to vector<2000x128xf32>
    %ge3A_111 = arith.cmpf oge, %get3A_1, %ge3A_110 : vector<2000x128xf32>
    %convert_element_type3A_112 = arith.extui %ge3A_111 : vector<2000x128xi1> to vector<2000x128xi32>
    %convert_element_type3A_113 = arith.sitofp %convert_element_type3A_112 : vector<2000x128xi32> to vector<2000x128xf32>
    %ge3A_114 = arith.constant 1.500000e+00 : f32
    %ge3A_115 = vector.broadcast %ge3A_114 : f32 to vector<2000x128xf32>
    %ge3A_116 = arith.cmpf oge, %get3A_1, %ge3A_115 : vector<2000x128xf32>
    %convert_element_type3A_117 = arith.extui %ge3A_116 : vector<2000x128xi1> to vector<2000x128xi32>
    %convert_element_type3A_118 = arith.sitofp %convert_element_type3A_117 : vector<2000x128xi32> to vector<2000x128xf32>
    %ge3A_119 = arith.constant 2.000000e+00 : f32
    %ge3A_120 = vector.broadcast %ge3A_119 : f32 to vector<2000x128xf32>
    %ge3A_121 = arith.cmpf oge, %get3A_1, %ge3A_120 : vector<2000x128xf32>
    %convert_element_type3A_122 = arith.extui %ge3A_121 : vector<2000x128xi1> to vector<2000x128xi32>
    %convert_element_type3A_123 = arith.sitofp %convert_element_type3A_122 : vector<2000x128xi32> to vector<2000x128xf32>
    %ge3A_124 = arith.constant 2.500000e+00 : f32
    %ge3A_125 = vector.broadcast %ge3A_124 : f32 to vector<2000x128xf32>
    %ge3A_126 = arith.cmpf oge, %get3A_1, %ge3A_125 : vector<2000x128xf32>
    %convert_element_type3A_127 = arith.extui %ge3A_126 : vector<2000x128xi1> to vector<2000x128xi32>
    %convert_element_type3A_128 = arith.sitofp %convert_element_type3A_127 : vector<2000x128xi32> to vector<2000x128xf32>
    %sub3A_129 = arith.subf %convert_element_type3A_78, %convert_element_type3A_83 : vector<2000x128xf32>
    %sub3A_130 = arith.subf %convert_element_type3A_83, %convert_element_type3A_88 : vector<2000x128xf32>
    %sub3A_131 = arith.subf %convert_element_type3A_88, %convert_element_type3A_93 : vector<2000x128xf32>
    %sub3A_132 = arith.subf %convert_element_type3A_93, %convert_element_type3A_98 : vector<2000x128xf32>
    %sub3A_133 = arith.subf %convert_element_type3A_98, %convert_element_type3A_103 : vector<2000x128xf32>
    %sub3A_134 = arith.subf %convert_element_type3A_103, %convert_element_type3A_108 : vector<2000x128xf32>
    %sub3A_135 = arith.subf %convert_element_type3A_108, %convert_element_type3A_113 : vector<2000x128xf32>
    %sub3A_136 = arith.subf %convert_element_type3A_113, %convert_element_type3A_118 : vector<2000x128xf32>
    %sub3A_137 = arith.subf %convert_element_type3A_118, %convert_element_type3A_123 : vector<2000x128xf32>
    %sub3A_138 = arith.subf %convert_element_type3A_123, %convert_element_type3A_128 : vector<2000x128xf32>
    %mul3A_139 = arith.mulf %sub3A_45, %sub3A_129 : vector<2000x128xf32>
    %mul3A_140 = arith.mulf %sub3A_51, %sub3A_130 : vector<2000x128xf32>
    %sub3A_141 = arith.subf %mul3A_139, %mul3A_140 : vector<2000x128xf32>
    %mul3A_142 = arith.constant 2.000000e+00 : f32
    %mul3A_143 = vector.broadcast %mul3A_142 : f32 to vector<2000x128xf32>
    %mul3A_144 = arith.mulf %sub3A_141, %mul3A_143 : vector<2000x128xf32>
    %mul3A_145 = arith.mulf %sub3A_48, %sub3A_130 : vector<2000x128xf32>
    %mul3A_146 = arith.mulf %sub3A_54, %sub3A_131 : vector<2000x128xf32>
    %sub3A_147 = arith.subf %mul3A_145, %mul3A_146 : vector<2000x128xf32>
    %mul3A_148 = arith.constant 2.000000e+00 : f32
    %mul3A_149 = vector.broadcast %mul3A_148 : f32 to vector<2000x128xf32>
    %mul3A_150 = arith.mulf %sub3A_147, %mul3A_149 : vector<2000x128xf32>
    %mul3A_151 = arith.mulf %sub3A_51, %sub3A_131 : vector<2000x128xf32>
    %mul3A_152 = arith.mulf %sub3A_57, %sub3A_132 : vector<2000x128xf32>
    %sub3A_153 = arith.subf %mul3A_151, %mul3A_152 : vector<2000x128xf32>
    %mul3A_154 = arith.constant 2.000000e+00 : f32
    %mul3A_155 = vector.broadcast %mul3A_154 : f32 to vector<2000x128xf32>
    %mul3A_156 = arith.mulf %sub3A_153, %mul3A_155 : vector<2000x128xf32>
    %mul3A_157 = arith.mulf %sub3A_54, %sub3A_132 : vector<2000x128xf32>
    %mul3A_158 = arith.mulf %sub3A_60, %sub3A_133 : vector<2000x128xf32>
    %sub3A_159 = arith.subf %mul3A_157, %mul3A_158 : vector<2000x128xf32>
    %mul3A_160 = arith.constant 2.000000e+00 : f32
    %mul3A_161 = vector.broadcast %mul3A_160 : f32 to vector<2000x128xf32>
    %mul3A_162 = arith.mulf %sub3A_159, %mul3A_161 : vector<2000x128xf32>
    %mul3A_163 = arith.mulf %sub3A_57, %sub3A_133 : vector<2000x128xf32>
    %mul3A_164 = arith.mulf %sub3A_63, %sub3A_134 : vector<2000x128xf32>
    %sub3A_165 = arith.subf %mul3A_163, %mul3A_164 : vector<2000x128xf32>
    %mul3A_166 = arith.constant 2.000000e+00 : f32
    %mul3A_167 = vector.broadcast %mul3A_166 : f32 to vector<2000x128xf32>
    %mul3A_168 = arith.mulf %sub3A_165, %mul3A_167 : vector<2000x128xf32>
    %mul3A_169 = arith.mulf %sub3A_60, %sub3A_134 : vector<2000x128xf32>
    %mul3A_170 = arith.mulf %sub3A_66, %sub3A_135 : vector<2000x128xf32>
    %sub3A_171 = arith.subf %mul3A_169, %mul3A_170 : vector<2000x128xf32>
    %mul3A_172 = arith.constant 2.000000e+00 : f32
    %mul3A_173 = vector.broadcast %mul3A_172 : f32 to vector<2000x128xf32>
    %mul3A_174 = arith.mulf %sub3A_171, %mul3A_173 : vector<2000x128xf32>
    %mul3A_175 = arith.mulf %sub3A_63, %sub3A_135 : vector<2000x128xf32>
    %mul3A_176 = arith.mulf %sub3A_69, %sub3A_136 : vector<2000x128xf32>
    %sub3A_177 = arith.subf %mul3A_175, %mul3A_176 : vector<2000x128xf32>
    %mul3A_178 = arith.constant 2.000000e+00 : f32
    %mul3A_179 = vector.broadcast %mul3A_178 : f32 to vector<2000x128xf32>
    %mul3A_180 = arith.mulf %sub3A_177, %mul3A_179 : vector<2000x128xf32>
    %mul3A_181 = arith.mulf %sub3A_66, %sub3A_136 : vector<2000x128xf32>
    %mul3A_182 = arith.mulf %sub3A_72, %sub3A_137 : vector<2000x128xf32>
    %sub3A_183 = arith.subf %mul3A_181, %mul3A_182 : vector<2000x128xf32>
    %mul3A_184 = arith.constant 2.000000e+00 : f32
    %mul3A_185 = vector.broadcast %mul3A_184 : f32 to vector<2000x128xf32>
    %mul3A_186 = arith.mulf %sub3A_183, %mul3A_185 : vector<2000x128xf32>
    %mul3A_187 = arith.mulf %sub3A_69, %sub3A_137 : vector<2000x128xf32>
    %mul3A_188 = arith.mulf %sub3A_75, %sub3A_138 : vector<2000x128xf32>
    %sub3A_189 = arith.subf %mul3A_187, %mul3A_188 : vector<2000x128xf32>
    %mul3A_190 = arith.constant 2.000000e+00 : f32
    %mul3A_191 = vector.broadcast %mul3A_190 : f32 to vector<2000x128xf32>
    %mul3A_192 = arith.mulf %sub3A_189, %mul3A_191 : vector<2000x128xf32>
    %mul3A_193 = arith.mulf %sub3A_45, %mul3A_144 : vector<2000x128xf32>
    %mul3A_194 = arith.mulf %sub3A_54, %mul3A_150 : vector<2000x128xf32>
    %sub3A_195 = arith.subf %mul3A_193, %mul3A_194 : vector<2000x128xf32>
    %mul3A_196 = arith.constant 1.000000e+00 : f32
    %mul3A_197 = vector.broadcast %mul3A_196 : f32 to vector<2000x128xf32>
    %mul3A_198 = arith.mulf %sub3A_195, %mul3A_197 : vector<2000x128xf32>
    %mul3A_199 = arith.mulf %sub3A_48, %mul3A_150 : vector<2000x128xf32>
    %mul3A_200 = arith.mulf %sub3A_57, %mul3A_156 : vector<2000x128xf32>
    %sub3A_201 = arith.subf %mul3A_199, %mul3A_200 : vector<2000x128xf32>
    %mul3A_202 = arith.constant 1.000000e+00 : f32
    %mul3A_203 = vector.broadcast %mul3A_202 : f32 to vector<2000x128xf32>
    %mul3A_204 = arith.mulf %sub3A_201, %mul3A_203 : vector<2000x128xf32>
    %mul3A_205 = arith.mulf %sub3A_51, %mul3A_156 : vector<2000x128xf32>
    %mul3A_206 = arith.mulf %sub3A_60, %mul3A_162 : vector<2000x128xf32>
    %sub3A_207 = arith.subf %mul3A_205, %mul3A_206 : vector<2000x128xf32>
    %mul3A_208 = arith.constant 1.000000e+00 : f32
    %mul3A_209 = vector.broadcast %mul3A_208 : f32 to vector<2000x128xf32>
    %mul3A_210 = arith.mulf %sub3A_207, %mul3A_209 : vector<2000x128xf32>
    %mul3A_211 = arith.mulf %sub3A_54, %mul3A_162 : vector<2000x128xf32>
    %mul3A_212 = arith.mulf %sub3A_63, %mul3A_168 : vector<2000x128xf32>
    %sub3A_213 = arith.subf %mul3A_211, %mul3A_212 : vector<2000x128xf32>
    %mul3A_214 = arith.constant 1.000000e+00 : f32
    %mul3A_215 = vector.broadcast %mul3A_214 : f32 to vector<2000x128xf32>
    %mul3A_216 = arith.mulf %sub3A_213, %mul3A_215 : vector<2000x128xf32>
    %mul3A_217 = arith.mulf %sub3A_57, %mul3A_168 : vector<2000x128xf32>
    %mul3A_218 = arith.mulf %sub3A_66, %mul3A_174 : vector<2000x128xf32>
    %sub3A_219 = arith.subf %mul3A_217, %mul3A_218 : vector<2000x128xf32>
    %mul3A_220 = arith.constant 1.000000e+00 : f32
    %mul3A_221 = vector.broadcast %mul3A_220 : f32 to vector<2000x128xf32>
    %mul3A_222 = arith.mulf %sub3A_219, %mul3A_221 : vector<2000x128xf32>
    %mul3A_223 = arith.mulf %sub3A_60, %mul3A_174 : vector<2000x128xf32>
    %mul3A_224 = arith.mulf %sub3A_69, %mul3A_180 : vector<2000x128xf32>
    %sub3A_225 = arith.subf %mul3A_223, %mul3A_224 : vector<2000x128xf32>
    %mul3A_226 = arith.constant 1.000000e+00 : f32
    %mul3A_227 = vector.broadcast %mul3A_226 : f32 to vector<2000x128xf32>
    %mul3A_228 = arith.mulf %sub3A_225, %mul3A_227 : vector<2000x128xf32>
    %mul3A_229 = arith.mulf %sub3A_63, %mul3A_180 : vector<2000x128xf32>
    %mul3A_230 = arith.mulf %sub3A_72, %mul3A_186 : vector<2000x128xf32>
    %sub3A_231 = arith.subf %mul3A_229, %mul3A_230 : vector<2000x128xf32>
    %mul3A_232 = arith.constant 1.000000e+00 : f32
    %mul3A_233 = vector.broadcast %mul3A_232 : f32 to vector<2000x128xf32>
    %mul3A_234 = arith.mulf %sub3A_231, %mul3A_233 : vector<2000x128xf32>
    %mul3A_235 = arith.mulf %sub3A_66, %mul3A_186 : vector<2000x128xf32>
    %mul3A_236 = arith.mulf %sub3A_75, %mul3A_192 : vector<2000x128xf32>
    %sub3A_237 = arith.subf %mul3A_235, %mul3A_236 : vector<2000x128xf32>
    %mul3A_238 = arith.constant 1.000000e+00 : f32
    %mul3A_239 = vector.broadcast %mul3A_238 : f32 to vector<2000x128xf32>
    %mul3A_240 = arith.mulf %sub3A_237, %mul3A_239 : vector<2000x128xf32>
    %mul3A_241 = arith.mulf %sub3A_45, %mul3A_198 : vector<2000x128xf32>
    %mul3A_242 = arith.mulf %sub3A_57, %mul3A_204 : vector<2000x128xf32>
    %sub3A_243 = arith.subf %mul3A_241, %mul3A_242 : vector<2000x128xf32>
    %mul3A_244 = arith.constant 0.666666686 : f32
    %mul3A_245 = vector.broadcast %mul3A_244 : f32 to vector<2000x128xf32>
    %mul3A_246 = arith.mulf %sub3A_243, %mul3A_245 : vector<2000x128xf32>
    %mul3A_247 = arith.mulf %sub3A_48, %mul3A_204 : vector<2000x128xf32>
    %mul3A_248 = arith.mulf %sub3A_60, %mul3A_210 : vector<2000x128xf32>
    %sub3A_249 = arith.subf %mul3A_247, %mul3A_248 : vector<2000x128xf32>
    %mul3A_250 = arith.constant 0.666666686 : f32
    %mul3A_251 = vector.broadcast %mul3A_250 : f32 to vector<2000x128xf32>
    %mul3A_252 = arith.mulf %sub3A_249, %mul3A_251 : vector<2000x128xf32>
    %mul3A_253 = arith.mulf %sub3A_51, %mul3A_210 : vector<2000x128xf32>
    %mul3A_254 = arith.mulf %sub3A_63, %mul3A_216 : vector<2000x128xf32>
    %sub3A_255 = arith.subf %mul3A_253, %mul3A_254 : vector<2000x128xf32>
    %mul3A_256 = arith.constant 0.666666686 : f32
    %mul3A_257 = vector.broadcast %mul3A_256 : f32 to vector<2000x128xf32>
    %mul3A_258 = arith.mulf %sub3A_255, %mul3A_257 : vector<2000x128xf32>
    %mul3A_259 = arith.mulf %sub3A_54, %mul3A_216 : vector<2000x128xf32>
    %mul3A_260 = arith.mulf %sub3A_66, %mul3A_222 : vector<2000x128xf32>
    %sub3A_261 = arith.subf %mul3A_259, %mul3A_260 : vector<2000x128xf32>
    %mul3A_262 = arith.constant 0.666666686 : f32
    %mul3A_263 = vector.broadcast %mul3A_262 : f32 to vector<2000x128xf32>
    %mul3A_264 = arith.mulf %sub3A_261, %mul3A_263 : vector<2000x128xf32>
    %mul3A_265 = arith.mulf %sub3A_57, %mul3A_222 : vector<2000x128xf32>
    %mul3A_266 = arith.mulf %sub3A_69, %mul3A_228 : vector<2000x128xf32>
    %sub3A_267 = arith.subf %mul3A_265, %mul3A_266 : vector<2000x128xf32>
    %mul3A_268 = arith.constant 0.666666686 : f32
    %mul3A_269 = vector.broadcast %mul3A_268 : f32 to vector<2000x128xf32>
    %mul3A_270 = arith.mulf %sub3A_267, %mul3A_269 : vector<2000x128xf32>
    %mul3A_271 = arith.mulf %sub3A_60, %mul3A_228 : vector<2000x128xf32>
    %mul3A_272 = arith.mulf %sub3A_72, %mul3A_234 : vector<2000x128xf32>
    %sub3A_273 = arith.subf %mul3A_271, %mul3A_272 : vector<2000x128xf32>
    %mul3A_274 = arith.constant 0.666666686 : f32
    %mul3A_275 = vector.broadcast %mul3A_274 : f32 to vector<2000x128xf32>
    %mul3A_276 = arith.mulf %sub3A_273, %mul3A_275 : vector<2000x128xf32>
    %mul3A_277 = arith.mulf %sub3A_63, %mul3A_234 : vector<2000x128xf32>
    %mul3A_278 = arith.mulf %sub3A_75, %mul3A_240 : vector<2000x128xf32>
    %sub3A_279 = arith.subf %mul3A_277, %mul3A_278 : vector<2000x128xf32>
    %mul3A_280 = arith.constant 0.666666686 : f32
    %mul3A_281 = vector.broadcast %mul3A_280 : f32 to vector<2000x128xf32>
    %mul3A_282 = arith.mulf %sub3A_279, %mul3A_281 : vector<2000x128xf32>
    %get3A_283 = arith.constant 0 : index
    %get3A_284 = arith.constant 0 : index
    %get3A_285 = arith.constant 0 : index
    %get3A_286 = vector.load %arg6[%get3A_283, %get3A_284, %get3A_285] : memref<7x128x64xf32, #tpu.memory_space<vmem>>, vector<1x128x64xf32>
    %get3A_287 = vector.shape_cast %get3A_286 : vector<1x128x64xf32> to vector<128x64xf32>
    %dot_general3A_288 = arith.constant dense<0.000000e+00> : vector<2000x64xf32>
    %dot_general3A_289 = tpu.matmul %mul3A_246, %get3A_287, %dot_general3A_288 {dimension_numbers = #tpu.dot_dimension_numbers<[1], [0], [0], [1], [0, 0, 1, 1], [], []>, transpose_lhs_hint = false} : vector<2000x128xf32>, vector<128x64xf32>, vector<2000x64xf32> -> vector<2000x64xf32>
    %add3A_290 = arith.addf %add3A_43, %dot_general3A_289 : vector<2000x64xf32>
    %get3A_291 = arith.constant 1 : index
    %get3A_292 = arith.constant 0 : index
    %get3A_293 = arith.constant 0 : index
    %get3A_294 = vector.load %arg6[%get3A_291, %get3A_292, %get3A_293] : memref<7x128x64xf32, #tpu.memory_space<vmem>>, vector<1x128x64xf32>
    %get3A_295 = vector.shape_cast %get3A_294 : vector<1x128x64xf32> to vector<128x64xf32>
    %dot_general3A_296 = arith.constant dense<0.000000e+00> : vector<2000x64xf32>
    %dot_general3A_297 = tpu.matmul %mul3A_252, %get3A_295, %dot_general3A_296 {dimension_numbers = #tpu.dot_dimension_numbers<[1], [0], [0], [1], [0, 0, 1, 1], [], []>, transpose_lhs_hint = false} : vector<2000x128xf32>, vector<128x64xf32>, vector<2000x64xf32> -> vector<2000x64xf32>
    %add3A_298 = arith.addf %add3A_290, %dot_general3A_297 : vector<2000x64xf32>
    %get3A_299 = arith.constant 2 : index
    %get3A_300 = arith.constant 0 : index
    %get3A_301 = arith.constant 0 : index
    %get3A_302 = vector.load %arg6[%get3A_299, %get3A_300, %get3A_301] : memref<7x128x64xf32, #tpu.memory_space<vmem>>, vector<1x128x64xf32>
    %get3A_303 = vector.shape_cast %get3A_302 : vector<1x128x64xf32> to vector<128x64xf32>
    %dot_general3A_304 = arith.constant dense<0.000000e+00> : vector<2000x64xf32>
    %dot_general3A_305 = tpu.matmul %mul3A_258, %get3A_303, %dot_general3A_304 {dimension_numbers = #tpu.dot_dimension_numbers<[1], [0], [0], [1], [0, 0, 1, 1], [], []>, transpose_lhs_hint = false} : vector<2000x128xf32>, vector<128x64xf32>, vector<2000x64xf32> -> vector<2000x64xf32>
    %add3A_306 = arith.addf %add3A_298, %dot_general3A_305 : vector<2000x64xf32>
    %get3A_307 = arith.constant 3 : index
    %get3A_308 = arith.constant 0 : index
    %get3A_309 = arith.constant 0 : index
    %get3A_310 = vector.load %arg6[%get3A_307, %get3A_308, %get3A_309] : memref<7x128x64xf32, #tpu.memory_space<vmem>>, vector<1x128x64xf32>
    %get3A_311 = vector.shape_cast %get3A_310 : vector<1x128x64xf32> to vector<128x64xf32>
    %dot_general3A_312 = arith.constant dense<0.000000e+00> : vector<2000x64xf32>
    %dot_general3A_313 = tpu.matmul %mul3A_264, %get3A_311, %dot_general3A_312 {dimension_numbers = #tpu.dot_dimension_numbers<[1], [0], [0], [1], [0, 0, 1, 1], [], []>, transpose_lhs_hint = false} : vector<2000x128xf32>, vector<128x64xf32>, vector<2000x64xf32> -> vector<2000x64xf32>
    %add3A_314 = arith.addf %add3A_306, %dot_general3A_313 : vector<2000x64xf32>
    %get3A_315 = arith.constant 4 : index
    %get3A_316 = arith.constant 0 : index
    %get3A_317 = arith.constant 0 : index
    %get3A_318 = vector.load %arg6[%get3A_315, %get3A_316, %get3A_317] : memref<7x128x64xf32, #tpu.memory_space<vmem>>, vector<1x128x64xf32>
    %get3A_319 = vector.shape_cast %get3A_318 : vector<1x128x64xf32> to vector<128x64xf32>
    %dot_general3A_320 = arith.constant dense<0.000000e+00> : vector<2000x64xf32>
    %dot_general3A_321 = tpu.matmul %mul3A_270, %get3A_319, %dot_general3A_320 {dimension_numbers = #tpu.dot_dimension_numbers<[1], [0], [0], [1], [0, 0, 1, 1], [], []>, transpose_lhs_hint = false} : vector<2000x128xf32>, vector<128x64xf32>, vector<2000x64xf32> -> vector<2000x64xf32>
    %add3A_322 = arith.addf %add3A_314, %dot_general3A_321 : vector<2000x64xf32>
    %get3A_323 = arith.constant 5 : index
    %get3A_324 = arith.constant 0 : index
    %get3A_325 = arith.constant 0 : index
    %get3A_326 = vector.load %arg6[%get3A_323, %get3A_324, %get3A_325] : memref<7x128x64xf32, #tpu.memory_space<vmem>>, vector<1x128x64xf32>
    %get3A_327 = vector.shape_cast %get3A_326 : vector<1x128x64xf32> to vector<128x64xf32>
    %dot_general3A_328 = arith.constant dense<0.000000e+00> : vector<2000x64xf32>
    %dot_general3A_329 = tpu.matmul %mul3A_276, %get3A_327, %dot_general3A_328 {dimension_numbers = #tpu.dot_dimension_numbers<[1], [0], [0], [1], [0, 0, 1, 1], [], []>, transpose_lhs_hint = false} : vector<2000x128xf32>, vector<128x64xf32>, vector<2000x64xf32> -> vector<2000x64xf32>
    %add3A_330 = arith.addf %add3A_322, %dot_general3A_329 : vector<2000x64xf32>
    %get3A_331 = arith.constant 6 : index
    %get3A_332 = arith.constant 0 : index
    %get3A_333 = arith.constant 0 : index
    %get3A_334 = vector.load %arg6[%get3A_331, %get3A_332, %get3A_333] : memref<7x128x64xf32, #tpu.memory_space<vmem>>, vector<1x128x64xf32>
    %get3A_335 = vector.shape_cast %get3A_334 : vector<1x128x64xf32> to vector<128x64xf32>
    %dot_general3A_336 = arith.constant dense<0.000000e+00> : vector<2000x64xf32>
    %dot_general3A_337 = tpu.matmul %mul3A_282, %get3A_335, %dot_general3A_336 {dimension_numbers = #tpu.dot_dimension_numbers<[1], [0], [0], [1], [0, 0, 1, 1], [], []>, transpose_lhs_hint = false} : vector<2000x128xf32>, vector<128x64xf32>, vector<2000x64xf32> -> vector<2000x64xf32>
    %add3A_338 = arith.addf %add3A_330, %dot_general3A_337 : vector<2000x64xf32>
    %sub3A_339 = arith.constant -2.500000e+00 : f32
    %sub3A_340 = vector.broadcast %sub3A_339 : f32 to vector<2000x128xf32>
    %sub3A_341 = arith.subf %add3A_15, %sub3A_340 : vector<2000x128xf32>
    %sub3A_342 = arith.constant -2.000000e+00 : f32
    %sub3A_343 = vector.broadcast %sub3A_342 : f32 to vector<2000x128xf32>
    %sub3A_344 = arith.subf %add3A_15, %sub3A_343 : vector<2000x128xf32>
    %sub3A_345 = arith.constant -1.500000e+00 : f32
    %sub3A_346 = vector.broadcast %sub3A_345 : f32 to vector<2000x128xf32>
    %sub3A_347 = arith.subf %add3A_15, %sub3A_346 : vector<2000x128xf32>
    %sub3A_348 = arith.constant -1.000000e+00 : f32
    %sub3A_349 = vector.broadcast %sub3A_348 : f32 to vector<2000x128xf32>
    %sub3A_350 = arith.subf %add3A_15, %sub3A_349 : vector<2000x128xf32>
    %sub3A_351 = arith.constant -5.000000e-01 : f32
    %sub3A_352 = vector.broadcast %sub3A_351 : f32 to vector<2000x128xf32>
    %sub3A_353 = arith.subf %add3A_15, %sub3A_352 : vector<2000x128xf32>
    %sub3A_354 = arith.constant 0.000000e+00 : f32
    %sub3A_355 = vector.broadcast %sub3A_354 : f32 to vector<2000x128xf32>
    %sub3A_356 = arith.subf %add3A_15, %sub3A_355 : vector<2000x128xf32>
    %sub3A_357 = arith.constant 5.000000e-01 : f32
    %sub3A_358 = vector.broadcast %sub3A_357 : f32 to vector<2000x128xf32>
    %sub3A_359 = arith.subf %add3A_15, %sub3A_358 : vector<2000x128xf32>
    %sub3A_360 = arith.constant 1.000000e+00 : f32
    %sub3A_361 = vector.broadcast %sub3A_360 : f32 to vector<2000x128xf32>
    %sub3A_362 = arith.subf %add3A_15, %sub3A_361 : vector<2000x128xf32>
    %sub3A_363 = arith.constant 1.500000e+00 : f32
    %sub3A_364 = vector.broadcast %sub3A_363 : f32 to vector<2000x128xf32>
    %sub3A_365 = arith.subf %add3A_15, %sub3A_364 : vector<2000x128xf32>
    %sub3A_366 = arith.constant 2.000000e+00 : f32
    %sub3A_367 = vector.broadcast %sub3A_366 : f32 to vector<2000x128xf32>
    %sub3A_368 = arith.subf %add3A_15, %sub3A_367 : vector<2000x128xf32>
    %sub3A_369 = arith.constant 2.500000e+00 : f32
    %sub3A_370 = vector.broadcast %sub3A_369 : f32 to vector<2000x128xf32>
    %sub3A_371 = arith.subf %add3A_15, %sub3A_370 : vector<2000x128xf32>
    %ge3A_372 = arith.constant -2.500000e+00 : f32
    %ge3A_373 = vector.broadcast %ge3A_372 : f32 to vector<2000x128xf32>
    %ge3A_374 = arith.cmpf oge, %add3A_15, %ge3A_373 : vector<2000x128xf32>
    %convert_element_type3A_375 = arith.extui %ge3A_374 : vector<2000x128xi1> to vector<2000x128xi32>
    %convert_element_type3A_376 = arith.sitofp %convert_element_type3A_375 : vector<2000x128xi32> to vector<2000x128xf32>
    %ge3A_377 = arith.constant -2.000000e+00 : f32
    %ge3A_378 = vector.broadcast %ge3A_377 : f32 to vector<2000x128xf32>
    %ge3A_379 = arith.cmpf oge, %add3A_15, %ge3A_378 : vector<2000x128xf32>
    %convert_element_type3A_380 = arith.extui %ge3A_379 : vector<2000x128xi1> to vector<2000x128xi32>
    %convert_element_type3A_381 = arith.sitofp %convert_element_type3A_380 : vector<2000x128xi32> to vector<2000x128xf32>
    %ge3A_382 = arith.constant -1.500000e+00 : f32
    %ge3A_383 = vector.broadcast %ge3A_382 : f32 to vector<2000x128xf32>
    %ge3A_384 = arith.cmpf oge, %add3A_15, %ge3A_383 : vector<2000x128xf32>
    %convert_element_type3A_385 = arith.extui %ge3A_384 : vector<2000x128xi1> to vector<2000x128xi32>
    %convert_element_type3A_386 = arith.sitofp %convert_element_type3A_385 : vector<2000x128xi32> to vector<2000x128xf32>
    %ge3A_387 = arith.constant -1.000000e+00 : f32
    %ge3A_388 = vector.broadcast %ge3A_387 : f32 to vector<2000x128xf32>
    %ge3A_389 = arith.cmpf oge, %add3A_15, %ge3A_388 : vector<2000x128xf32>
    %convert_element_type3A_390 = arith.extui %ge3A_389 : vector<2000x128xi1> to vector<2000x128xi32>
    %convert_element_type3A_391 = arith.sitofp %convert_element_type3A_390 : vector<2000x128xi32> to vector<2000x128xf32>
    %ge3A_392 = arith.constant -5.000000e-01 : f32
    %ge3A_393 = vector.broadcast %ge3A_392 : f32 to vector<2000x128xf32>
    %ge3A_394 = arith.cmpf oge, %add3A_15, %ge3A_393 : vector<2000x128xf32>
    %convert_element_type3A_395 = arith.extui %ge3A_394 : vector<2000x128xi1> to vector<2000x128xi32>
    %convert_element_type3A_396 = arith.sitofp %convert_element_type3A_395 : vector<2000x128xi32> to vector<2000x128xf32>
    %ge3A_397 = arith.constant 0.000000e+00 : f32
    %ge3A_398 = vector.broadcast %ge3A_397 : f32 to vector<2000x128xf32>
    %ge3A_399 = arith.cmpf oge, %add3A_15, %ge3A_398 : vector<2000x128xf32>
    %convert_element_type3A_400 = arith.extui %ge3A_399 : vector<2000x128xi1> to vector<2000x128xi32>
    %convert_element_type3A_401 = arith.sitofp %convert_element_type3A_400 : vector<2000x128xi32> to vector<2000x128xf32>
    %ge3A_402 = arith.constant 5.000000e-01 : f32
    %ge3A_403 = vector.broadcast %ge3A_402 : f32 to vector<2000x128xf32>
    %ge3A_404 = arith.cmpf oge, %add3A_15, %ge3A_403 : vector<2000x128xf32>
    %convert_element_type3A_405 = arith.extui %ge3A_404 : vector<2000x128xi1> to vector<2000x128xi32>
    %convert_element_type3A_406 = arith.sitofp %convert_element_type3A_405 : vector<2000x128xi32> to vector<2000x128xf32>
    %ge3A_407 = arith.constant 1.000000e+00 : f32
    %ge3A_408 = vector.broadcast %ge3A_407 : f32 to vector<2000x128xf32>
    %ge3A_409 = arith.cmpf oge, %add3A_15, %ge3A_408 : vector<2000x128xf32>
    %convert_element_type3A_410 = arith.extui %ge3A_409 : vector<2000x128xi1> to vector<2000x128xi32>
    %convert_element_type3A_411 = arith.sitofp %convert_element_type3A_410 : vector<2000x128xi32> to vector<2000x128xf32>
    %ge3A_412 = arith.constant 1.500000e+00 : f32
    %ge3A_413 = vector.broadcast %ge3A_412 : f32 to vector<2000x128xf32>
    %ge3A_414 = arith.cmpf oge, %add3A_15, %ge3A_413 : vector<2000x128xf32>
    %convert_element_type3A_415 = arith.extui %ge3A_414 : vector<2000x128xi1> to vector<2000x128xi32>
    %convert_element_type3A_416 = arith.sitofp %convert_element_type3A_415 : vector<2000x128xi32> to vector<2000x128xf32>
    %ge3A_417 = arith.constant 2.000000e+00 : f32
    %ge3A_418 = vector.broadcast %ge3A_417 : f32 to vector<2000x128xf32>
    %ge3A_419 = arith.cmpf oge, %add3A_15, %ge3A_418 : vector<2000x128xf32>
    %convert_element_type3A_420 = arith.extui %ge3A_419 : vector<2000x128xi1> to vector<2000x128xi32>
    %convert_element_type3A_421 = arith.sitofp %convert_element_type3A_420 : vector<2000x128xi32> to vector<2000x128xf32>
    %ge3A_422 = arith.constant 2.500000e+00 : f32
    %ge3A_423 = vector.broadcast %ge3A_422 : f32 to vector<2000x128xf32>
    %ge3A_424 = arith.cmpf oge, %add3A_15, %ge3A_423 : vector<2000x128xf32>
    %convert_element_type3A_425 = arith.extui %ge3A_424 : vector<2000x128xi1> to vector<2000x128xi32>
    %convert_element_type3A_426 = arith.sitofp %convert_element_type3A_425 : vector<2000x128xi32> to vector<2000x128xf32>
    %sub3A_427 = arith.subf %convert_element_type3A_376, %convert_element_type3A_381 : vector<2000x128xf32>
    %sub3A_428 = arith.subf %convert_element_type3A_381, %convert_element_type3A_386 : vector<2000x128xf32>
    %sub3A_429 = arith.subf %convert_element_type3A_386, %convert_element_type3A_391 : vector<2000x128xf32>
    %sub3A_430 = arith.subf %convert_element_type3A_391, %convert_element_type3A_396 : vector<2000x128xf32>
    %sub3A_431 = arith.subf %convert_element_type3A_396, %convert_element_type3A_401 : vector<2000x128xf32>
    %sub3A_432 = arith.subf %convert_element_type3A_401, %convert_element_type3A_406 : vector<2000x128xf32>
    %sub3A_433 = arith.subf %convert_element_type3A_406, %convert_element_type3A_411 : vector<2000x128xf32>
    %sub3A_434 = arith.subf %convert_element_type3A_411, %convert_element_type3A_416 : vector<2000x128xf32>
    %sub3A_435 = arith.subf %convert_element_type3A_416, %convert_element_type3A_421 : vector<2000x128xf32>
    %sub3A_436 = arith.subf %convert_element_type3A_421, %convert_element_type3A_426 : vector<2000x128xf32>
    %mul3A_437 = arith.mulf %sub3A_341, %sub3A_427 : vector<2000x128xf32>
    %mul3A_438 = arith.mulf %sub3A_347, %sub3A_428 : vector<2000x128xf32>
    %sub3A_439 = arith.subf %mul3A_437, %mul3A_438 : vector<2000x128xf32>
    %mul3A_440 = arith.constant 2.000000e+00 : f32
    %mul3A_441 = vector.broadcast %mul3A_440 : f32 to vector<2000x128xf32>
    %mul3A_442 = arith.mulf %sub3A_439, %mul3A_441 : vector<2000x128xf32>
    %mul3A_443 = arith.mulf %sub3A_344, %sub3A_428 : vector<2000x128xf32>
    %mul3A_444 = arith.mulf %sub3A_350, %sub3A_429 : vector<2000x128xf32>
    %sub3A_445 = arith.subf %mul3A_443, %mul3A_444 : vector<2000x128xf32>
    %mul3A_446 = arith.constant 2.000000e+00 : f32
    %mul3A_447 = vector.broadcast %mul3A_446 : f32 to vector<2000x128xf32>
    %mul3A_448 = arith.mulf %sub3A_445, %mul3A_447 : vector<2000x128xf32>
    %mul3A_449 = arith.mulf %sub3A_347, %sub3A_429 : vector<2000x128xf32>
    %mul3A_450 = arith.mulf %sub3A_353, %sub3A_430 : vector<2000x128xf32>
    %sub3A_451 = arith.subf %mul3A_449, %mul3A_450 : vector<2000x128xf32>
    %mul3A_452 = arith.constant 2.000000e+00 : f32
    %mul3A_453 = vector.broadcast %mul3A_452 : f32 to vector<2000x128xf32>
    %mul3A_454 = arith.mulf %sub3A_451, %mul3A_453 : vector<2000x128xf32>
    %mul3A_455 = arith.mulf %sub3A_350, %sub3A_430 : vector<2000x128xf32>
    %mul3A_456 = arith.mulf %sub3A_356, %sub3A_431 : vector<2000x128xf32>
    %sub3A_457 = arith.subf %mul3A_455, %mul3A_456 : vector<2000x128xf32>
    %mul3A_458 = arith.constant 2.000000e+00 : f32
    %mul3A_459 = vector.broadcast %mul3A_458 : f32 to vector<2000x128xf32>
    %mul3A_460 = arith.mulf %sub3A_457, %mul3A_459 : vector<2000x128xf32>
    %mul3A_461 = arith.mulf %sub3A_353, %sub3A_431 : vector<2000x128xf32>
    %mul3A_462 = arith.mulf %sub3A_359, %sub3A_432 : vector<2000x128xf32>
    %sub3A_463 = arith.subf %mul3A_461, %mul3A_462 : vector<2000x128xf32>
    %mul3A_464 = arith.constant 2.000000e+00 : f32
    %mul3A_465 = vector.broadcast %mul3A_464 : f32 to vector<2000x128xf32>
    %mul3A_466 = arith.mulf %sub3A_463, %mul3A_465 : vector<2000x128xf32>
    %mul3A_467 = arith.mulf %sub3A_356, %sub3A_432 : vector<2000x128xf32>
    %mul3A_468 = arith.mulf %sub3A_362, %sub3A_433 : vector<2000x128xf32>
    %sub3A_469 = arith.subf %mul3A_467, %mul3A_468 : vector<2000x128xf32>
    %mul3A_470 = arith.constant 2.000000e+00 : f32
    %mul3A_471 = vector.broadcast %mul3A_470 : f32 to vector<2000x128xf32>
    %mul3A_472 = arith.mulf %sub3A_469, %mul3A_471 : vector<2000x128xf32>
    %mul3A_473 = arith.mulf %sub3A_359, %sub3A_433 : vector<2000x128xf32>
    %mul3A_474 = arith.mulf %sub3A_365, %sub3A_434 : vector<2000x128xf32>
    %sub3A_475 = arith.subf %mul3A_473, %mul3A_474 : vector<2000x128xf32>
    %mul3A_476 = arith.constant 2.000000e+00 : f32
    %mul3A_477 = vector.broadcast %mul3A_476 : f32 to vector<2000x128xf32>
    %mul3A_478 = arith.mulf %sub3A_475, %mul3A_477 : vector<2000x128xf32>
    %mul3A_479 = arith.mulf %sub3A_362, %sub3A_434 : vector<2000x128xf32>
    %mul3A_480 = arith.mulf %sub3A_368, %sub3A_435 : vector<2000x128xf32>
    %sub3A_481 = arith.subf %mul3A_479, %mul3A_480 : vector<2000x128xf32>
    %mul3A_482 = arith.constant 2.000000e+00 : f32
    %mul3A_483 = vector.broadcast %mul3A_482 : f32 to vector<2000x128xf32>
    %mul3A_484 = arith.mulf %sub3A_481, %mul3A_483 : vector<2000x128xf32>
    %mul3A_485 = arith.mulf %sub3A_365, %sub3A_435 : vector<2000x128xf32>
    %mul3A_486 = arith.mulf %sub3A_371, %sub3A_436 : vector<2000x128xf32>
    %sub3A_487 = arith.subf %mul3A_485, %mul3A_486 : vector<2000x128xf32>
    %mul3A_488 = arith.constant 2.000000e+00 : f32
    %mul3A_489 = vector.broadcast %mul3A_488 : f32 to vector<2000x128xf32>
    %mul3A_490 = arith.mulf %sub3A_487, %mul3A_489 : vector<2000x128xf32>
    %mul3A_491 = arith.mulf %sub3A_341, %mul3A_442 : vector<2000x128xf32>
    %mul3A_492 = arith.mulf %sub3A_350, %mul3A_448 : vector<2000x128xf32>
    %sub3A_493 = arith.subf %mul3A_491, %mul3A_492 : vector<2000x128xf32>
    %mul3A_494 = arith.constant 1.000000e+00 : f32
    %mul3A_495 = vector.broadcast %mul3A_494 : f32 to vector<2000x128xf32>
    %mul3A_496 = arith.mulf %sub3A_493, %mul3A_495 : vector<2000x128xf32>
    %mul3A_497 = arith.mulf %sub3A_344, %mul3A_448 : vector<2000x128xf32>
    %mul3A_498 = arith.mulf %sub3A_353, %mul3A_454 : vector<2000x128xf32>
    %sub3A_499 = arith.subf %mul3A_497, %mul3A_498 : vector<2000x128xf32>
    %mul3A_500 = arith.constant 1.000000e+00 : f32
    %mul3A_501 = vector.broadcast %mul3A_500 : f32 to vector<2000x128xf32>
    %mul3A_502 = arith.mulf %sub3A_499, %mul3A_501 : vector<2000x128xf32>
    %mul3A_503 = arith.mulf %sub3A_347, %mul3A_454 : vector<2000x128xf32>
    %mul3A_504 = arith.mulf %sub3A_356, %mul3A_460 : vector<2000x128xf32>
    %sub3A_505 = arith.subf %mul3A_503, %mul3A_504 : vector<2000x128xf32>
    %mul3A_506 = arith.constant 1.000000e+00 : f32
    %mul3A_507 = vector.broadcast %mul3A_506 : f32 to vector<2000x128xf32>
    %mul3A_508 = arith.mulf %sub3A_505, %mul3A_507 : vector<2000x128xf32>
    %mul3A_509 = arith.mulf %sub3A_350, %mul3A_460 : vector<2000x128xf32>
    %mul3A_510 = arith.mulf %sub3A_359, %mul3A_466 : vector<2000x128xf32>
    %sub3A_511 = arith.subf %mul3A_509, %mul3A_510 : vector<2000x128xf32>
    %mul3A_512 = arith.constant 1.000000e+00 : f32
    %mul3A_513 = vector.broadcast %mul3A_512 : f32 to vector<2000x128xf32>
    %mul3A_514 = arith.mulf %sub3A_511, %mul3A_513 : vector<2000x128xf32>
    %mul3A_515 = arith.mulf %sub3A_353, %mul3A_466 : vector<2000x128xf32>
    %mul3A_516 = arith.mulf %sub3A_362, %mul3A_472 : vector<2000x128xf32>
    %sub3A_517 = arith.subf %mul3A_515, %mul3A_516 : vector<2000x128xf32>
    %mul3A_518 = arith.constant 1.000000e+00 : f32
    %mul3A_519 = vector.broadcast %mul3A_518 : f32 to vector<2000x128xf32>
    %mul3A_520 = arith.mulf %sub3A_517, %mul3A_519 : vector<2000x128xf32>
    %mul3A_521 = arith.mulf %sub3A_356, %mul3A_472 : vector<2000x128xf32>
    %mul3A_522 = arith.mulf %sub3A_365, %mul3A_478 : vector<2000x128xf32>
    %sub3A_523 = arith.subf %mul3A_521, %mul3A_522 : vector<2000x128xf32>
    %mul3A_524 = arith.constant 1.000000e+00 : f32
    %mul3A_525 = vector.broadcast %mul3A_524 : f32 to vector<2000x128xf32>
    %mul3A_526 = arith.mulf %sub3A_523, %mul3A_525 : vector<2000x128xf32>
    %mul3A_527 = arith.mulf %sub3A_359, %mul3A_478 : vector<2000x128xf32>
    %mul3A_528 = arith.mulf %sub3A_368, %mul3A_484 : vector<2000x128xf32>
    %sub3A_529 = arith.subf %mul3A_527, %mul3A_528 : vector<2000x128xf32>
    %mul3A_530 = arith.constant 1.000000e+00 : f32
    %mul3A_531 = vector.broadcast %mul3A_530 : f32 to vector<2000x128xf32>
    %mul3A_532 = arith.mulf %sub3A_529, %mul3A_531 : vector<2000x128xf32>
    %mul3A_533 = arith.mulf %sub3A_362, %mul3A_484 : vector<2000x128xf32>
    %mul3A_534 = arith.mulf %sub3A_371, %mul3A_490 : vector<2000x128xf32>
    %sub3A_535 = arith.subf %mul3A_533, %mul3A_534 : vector<2000x128xf32>
    %mul3A_536 = arith.constant 1.000000e+00 : f32
    %mul3A_537 = vector.broadcast %mul3A_536 : f32 to vector<2000x128xf32>
    %mul3A_538 = arith.mulf %sub3A_535, %mul3A_537 : vector<2000x128xf32>
    %mul3A_539 = arith.mulf %sub3A_341, %mul3A_496 : vector<2000x128xf32>
    %mul3A_540 = arith.mulf %sub3A_353, %mul3A_502 : vector<2000x128xf32>
    %sub3A_541 = arith.subf %mul3A_539, %mul3A_540 : vector<2000x128xf32>
    %mul3A_542 = arith.constant 0.666666686 : f32
    %mul3A_543 = vector.broadcast %mul3A_542 : f32 to vector<2000x128xf32>
    %mul3A_544 = arith.mulf %sub3A_541, %mul3A_543 : vector<2000x128xf32>
    %mul3A_545 = arith.mulf %sub3A_344, %mul3A_502 : vector<2000x128xf32>
    %mul3A_546 = arith.mulf %sub3A_356, %mul3A_508 : vector<2000x128xf32>
    %sub3A_547 = arith.subf %mul3A_545, %mul3A_546 : vector<2000x128xf32>
    %mul3A_548 = arith.constant 0.666666686 : f32
    %mul3A_549 = vector.broadcast %mul3A_548 : f32 to vector<2000x128xf32>
    %mul3A_550 = arith.mulf %sub3A_547, %mul3A_549 : vector<2000x128xf32>
    %mul3A_551 = arith.mulf %sub3A_347, %mul3A_508 : vector<2000x128xf32>
    %mul3A_552 = arith.mulf %sub3A_359, %mul3A_514 : vector<2000x128xf32>
    %sub3A_553 = arith.subf %mul3A_551, %mul3A_552 : vector<2000x128xf32>
    %mul3A_554 = arith.constant 0.666666686 : f32
    %mul3A_555 = vector.broadcast %mul3A_554 : f32 to vector<2000x128xf32>
    %mul3A_556 = arith.mulf %sub3A_553, %mul3A_555 : vector<2000x128xf32>
    %mul3A_557 = arith.mulf %sub3A_350, %mul3A_514 : vector<2000x128xf32>
    %mul3A_558 = arith.mulf %sub3A_362, %mul3A_520 : vector<2000x128xf32>
    %sub3A_559 = arith.subf %mul3A_557, %mul3A_558 : vector<2000x128xf32>
    %mul3A_560 = arith.constant 0.666666686 : f32
    %mul3A_561 = vector.broadcast %mul3A_560 : f32 to vector<2000x128xf32>
    %mul3A_562 = arith.mulf %sub3A_559, %mul3A_561 : vector<2000x128xf32>
    %mul3A_563 = arith.mulf %sub3A_353, %mul3A_520 : vector<2000x128xf32>
    %mul3A_564 = arith.mulf %sub3A_365, %mul3A_526 : vector<2000x128xf32>
    %sub3A_565 = arith.subf %mul3A_563, %mul3A_564 : vector<2000x128xf32>
    %mul3A_566 = arith.constant 0.666666686 : f32
    %mul3A_567 = vector.broadcast %mul3A_566 : f32 to vector<2000x128xf32>
    %mul3A_568 = arith.mulf %sub3A_565, %mul3A_567 : vector<2000x128xf32>
    %mul3A_569 = arith.mulf %sub3A_356, %mul3A_526 : vector<2000x128xf32>
    %mul3A_570 = arith.mulf %sub3A_368, %mul3A_532 : vector<2000x128xf32>
    %sub3A_571 = arith.subf %mul3A_569, %mul3A_570 : vector<2000x128xf32>
    %mul3A_572 = arith.constant 0.666666686 : f32
    %mul3A_573 = vector.broadcast %mul3A_572 : f32 to vector<2000x128xf32>
    %mul3A_574 = arith.mulf %sub3A_571, %mul3A_573 : vector<2000x128xf32>
    %mul3A_575 = arith.mulf %sub3A_359, %mul3A_532 : vector<2000x128xf32>
    %mul3A_576 = arith.mulf %sub3A_371, %mul3A_538 : vector<2000x128xf32>
    %sub3A_577 = arith.subf %mul3A_575, %mul3A_576 : vector<2000x128xf32>
    %mul3A_578 = arith.constant 0.666666686 : f32
    %mul3A_579 = vector.broadcast %mul3A_578 : f32 to vector<2000x128xf32>
    %mul3A_580 = arith.mulf %sub3A_577, %mul3A_579 : vector<2000x128xf32>
    %get3A_581 = arith.constant 0 : index
    %get3A_582 = arith.constant 0 : index
    %get3A_583 = arith.constant 0 : index
    %get3A_584 = vector.load %arg7[%get3A_581, %get3A_582, %get3A_583] : memref<7x128x64xf32, #tpu.memory_space<vmem>>, vector<1x128x64xf32>
    %get3A_585 = vector.shape_cast %get3A_584 : vector<1x128x64xf32> to vector<128x64xf32>
    %dot_general3A_586 = arith.constant dense<0.000000e+00> : vector<2000x64xf32>
    %dot_general3A_587 = tpu.matmul %mul3A_544, %get3A_585, %dot_general3A_586 {dimension_numbers = #tpu.dot_dimension_numbers<[1], [0], [0], [1], [0, 0, 1, 1], [], []>, transpose_lhs_hint = false} : vector<2000x128xf32>, vector<128x64xf32>, vector<2000x64xf32> -> vector<2000x64xf32>
    %add3A_588 = arith.addf %add3A_338, %dot_general3A_587 : vector<2000x64xf32>
    %get3A_589 = arith.constant 1 : index
    %get3A_590 = arith.constant 0 : index
    %get3A_591 = arith.constant 0 : index
    %get3A_592 = vector.load %arg7[%get3A_589, %get3A_590, %get3A_591] : memref<7x128x64xf32, #tpu.memory_space<vmem>>, vector<1x128x64xf32>
    %get3A_593 = vector.shape_cast %get3A_592 : vector<1x128x64xf32> to vector<128x64xf32>
    %dot_general3A_594 = arith.constant dense<0.000000e+00> : vector<2000x64xf32>
    %dot_general3A_595 = tpu.matmul %mul3A_550, %get3A_593, %dot_general3A_594 {dimension_numbers = #tpu.dot_dimension_numbers<[1], [0], [0], [1], [0, 0, 1, 1], [], []>, transpose_lhs_hint = false} : vector<2000x128xf32>, vector<128x64xf32>, vector<2000x64xf32> -> vector<2000x64xf32>
    %add3A_596 = arith.addf %add3A_588, %dot_general3A_595 : vector<2000x64xf32>
    %get3A_597 = arith.constant 2 : index
    %get3A_598 = arith.constant 0 : index
    %get3A_599 = arith.constant 0 : index
    %get3A_600 = vector.load %arg7[%get3A_597, %get3A_598, %get3A_599] : memref<7x128x64xf32, #tpu.memory_space<vmem>>, vector<1x128x64xf32>
    %get3A_601 = vector.shape_cast %get3A_600 : vector<1x128x64xf32> to vector<128x64xf32>
    %dot_general3A_602 = arith.constant dense<0.000000e+00> : vector<2000x64xf32>
    %dot_general3A_603 = tpu.matmul %mul3A_556, %get3A_601, %dot_general3A_602 {dimension_numbers = #tpu.dot_dimension_numbers<[1], [0], [0], [1], [0, 0, 1, 1], [], []>, transpose_lhs_hint = false} : vector<2000x128xf32>, vector<128x64xf32>, vector<2000x64xf32> -> vector<2000x64xf32>
    %add3A_604 = arith.addf %add3A_596, %dot_general3A_603 : vector<2000x64xf32>
    %get3A_605 = arith.constant 3 : index
    %get3A_606 = arith.constant 0 : index
    %get3A_607 = arith.constant 0 : index
    %get3A_608 = vector.load %arg7[%get3A_605, %get3A_606, %get3A_607] : memref<7x128x64xf32, #tpu.memory_space<vmem>>, vector<1x128x64xf32>
    %get3A_609 = vector.shape_cast %get3A_608 : vector<1x128x64xf32> to vector<128x64xf32>
    %dot_general3A_610 = arith.constant dense<0.000000e+00> : vector<2000x64xf32>
    %dot_general3A_611 = tpu.matmul %mul3A_562, %get3A_609, %dot_general3A_610 {dimension_numbers = #tpu.dot_dimension_numbers<[1], [0], [0], [1], [0, 0, 1, 1], [], []>, transpose_lhs_hint = false} : vector<2000x128xf32>, vector<128x64xf32>, vector<2000x64xf32> -> vector<2000x64xf32>
    %add3A_612 = arith.addf %add3A_604, %dot_general3A_611 : vector<2000x64xf32>
    %get3A_613 = arith.constant 4 : index
    %get3A_614 = arith.constant 0 : index
    %get3A_615 = arith.constant 0 : index
    %get3A_616 = vector.load %arg7[%get3A_613, %get3A_614, %get3A_615] : memref<7x128x64xf32, #tpu.memory_space<vmem>>, vector<1x128x64xf32>
    %get3A_617 = vector.shape_cast %get3A_616 : vector<1x128x64xf32> to vector<128x64xf32>
    %dot_general3A_618 = arith.constant dense<0.000000e+00> : vector<2000x64xf32>
    %dot_general3A_619 = tpu.matmul %mul3A_568, %get3A_617, %dot_general3A_618 {dimension_numbers = #tpu.dot_dimension_numbers<[1], [0], [0], [1], [0, 0, 1, 1], [], []>, transpose_lhs_hint = false} : vector<2000x128xf32>, vector<128x64xf32>, vector<2000x64xf32> -> vector<2000x64xf32>
    %add3A_620 = arith.addf %add3A_612, %dot_general3A_619 : vector<2000x64xf32>
    %get3A_621 = arith.constant 5 : index
    %get3A_622 = arith.constant 0 : index
    %get3A_623 = arith.constant 0 : index
    %get3A_624 = vector.load %arg7[%get3A_621, %get3A_622, %get3A_623] : memref<7x128x64xf32, #tpu.memory_space<vmem>>, vector<1x128x64xf32>
    %get3A_625 = vector.shape_cast %get3A_624 : vector<1x128x64xf32> to vector<128x64xf32>
    %dot_general3A_626 = arith.constant dense<0.000000e+00> : vector<2000x64xf32>
    %dot_general3A_627 = tpu.matmul %mul3A_574, %get3A_625, %dot_general3A_626 {dimension_numbers = #tpu.dot_dimension_numbers<[1], [0], [0], [1], [0, 0, 1, 1], [], []>, transpose_lhs_hint = false} : vector<2000x128xf32>, vector<128x64xf32>, vector<2000x64xf32> -> vector<2000x64xf32>
    %add3A_628 = arith.addf %add3A_620, %dot_general3A_627 : vector<2000x64xf32>
    %get3A_629 = arith.constant 6 : index
    %get3A_630 = arith.constant 0 : index
    %get3A_631 = arith.constant 0 : index
    %get3A_632 = vector.load %arg7[%get3A_629, %get3A_630, %get3A_631] : memref<7x128x64xf32, #tpu.memory_space<vmem>>, vector<1x128x64xf32>
    %get3A_633 = vector.shape_cast %get3A_632 : vector<1x128x64xf32> to vector<128x64xf32>
    %dot_general3A_634 = arith.constant dense<0.000000e+00> : vector<2000x64xf32>
    %dot_general3A_635 = tpu.matmul %mul3A_580, %get3A_633, %dot_general3A_634 {dimension_numbers = #tpu.dot_dimension_numbers<[1], [0], [0], [1], [0, 0, 1, 1], [], []>, transpose_lhs_hint = false} : vector<2000x128xf32>, vector<128x64xf32>, vector<2000x64xf32> -> vector<2000x64xf32>
    %add3A_636 = arith.addf %add3A_628, %dot_general3A_635 : vector<2000x64xf32>
    %swap3A = arith.constant 0 : index
    %swap3A_637 = arith.constant 0 : index
    %swap3A_638 = vector.load %arg8[%swap3A, %swap3A_637] : memref<2000x64xf32, #tpu.memory_space<vmem>>, vector<2000x64xf32>
    tpu.vector_store %arg8[%swap3A, %swap3A_637], %add3A_636 {strides = array<i32>} : memref<2000x64xf32, #tpu.memory_space<vmem>>, vector<2000x64xf32>,
    return
  }
  func.func @transform_0(%arg0: i32) -> (i32, i32) {
    %c0_i32 = arith.constant 0 : i32
    %c0_i32_0 = arith.constant 0 : i32
    return %arg0, %c0_i32 : i32, i32
  }
  func.func @transform_1(%arg0: i32) -> (i32, i32) {
    %c0_i32 = arith.constant 0 : i32
    %c0_i32_0 = arith.constant 0 : i32
    return %arg0, %c0_i32 : i32, i32
  }
  func.func @transform_2(%arg0: i32) -> (i32, i32, i32) {
    %c0_i32 = arith.constant 0 : i32
    %c0_i32_0 = arith.constant 0 : i32
    %c0_i32_1 = arith.constant 0 : i32
    return %c0_i32, %arg0, %c0_i32_0 : i32, i32, i32
  }
  func.func @transform_3(%arg0: i32) -> (i32, i32) {
    %c0_i32 = arith.constant 0 : i32
    %c0_i32_0 = arith.constant 0 : i32
    %c0_i32_1 = arith.constant 0 : i32
    return %c0_i32, %c0_i32_0 : i32, i32
  }
  func.func @transform_4(%arg0: i32) -> (i32, i32) {
    %c0_i32 = arith.constant 0 : i32
    %c0_i32_0 = arith.constant 0 : i32
    %c0_i32_1 = arith.constant 0 : i32
    return %c0_i32, %c0_i32_0 : i32, i32
  }
  func.func @transform_5(%arg0: i32) -> (i32, i32, i32) {
    %c0_i32 = arith.constant 0 : i32
    %c0_i32_0 = arith.constant 0 : i32
    %c0_i32_1 = arith.constant 0 : i32
    %c0_i32_2 = arith.constant 0 : i32
    return %c0_i32, %c0_i32_0, %c0_i32_1 : i32, i32, i32
  }
  func.func @transform_6(%arg0: i32) -> (i32, i32, i32) {
    %c0_i32 = arith.constant 0 : i32
    %c0_i32_0 = arith.constant 0 : i32
    %c0_i32_1 = arith.constant 0 : i32
    %c0_i32_2 = arith.constant 0 : i32
    return %c0_i32, %c0_i32_0, %c0_i32_1 : i32, i32, i32
  }
  func.func @transform_7(%arg0: i32) -> (i32, i32) {
    %c0_i32 = arith.constant 0 : i32
    %c0_i32_0 = arith.constant 0 : i32
    return %arg0, %c0_i32 : i32, i32
  }
}

</mosaic_0001>

<sc_bundles>
// kernel: kernel.6.cloned.1.call-start
scs
__scs_entry_jumppad:
0x0: {  	(pc) =	sbr.rel $0x88, $3  }
0x1: {  	(tag) =	ssettag $0x0;
	lr =	simm.s32 $0x1  }
0x2: {  	[smem:$0x3F99] =	sst lr;
	_ =	strace $0xD0000000  }
0x3: {  	_ = 	snop  }
0x4: {  	_ = 	snop  }
0x5: {  	_ = 	snop  }
0x6: {  	_ = 	snop  }
0x7: {  	_ = 	snop  }
__scs_overlays_trampoline_lowered:
0x8: {  	[smem:$0x3FA8] =	sst s0  }
0x9: {  	[smem:$0x3FA9] =	sst s1  }
0xa: {  	[smem:$0x3FAA] =	sst s2  }
0xb: {  	[smem:$0x3FAB] =	sst s3  }
0xc: {  	[smem:$0x3FAC] =	sst s4  }
0xd: {  	[smem:$0x3FAD] =	sst s5  }
0xe: {  	[smem:$0x3FAE] =	sst s6  }
0xf: {  	[smem:$0x3FAF] =	sst s7  }
0x10: {  	[smem:$0x3FB0] =	sst s8  }
0x11: {  	[smem:$0x3FB1] =	sst s9;
	s0 =	simm.s32 @!p0 $0x0  }
0x12: {  	s1 =	sld [smem:$0x3F97];
	s0 =	simm.s32 @p0 $0x1  }
0x13: {  	[smem:$0x3FB2] =	sst s0;
	s0 =	simm.s32 @!p1 $0x0  }
0x14: {  	s2 =	sld [smem:$0x3F96];
	s0 =	simm.s32 @p1 $0x1  }
0x15: {  	[smem:$0x3FB3] =	sst s0;
	s0 =	simm.s32 @!p2 $0x0  }
0x16: {  	s3 =	sld [smem:$0x3FDB];
	s0 =	simm.s32 @p2 $0x1  }
0x17: {  	s4 =	simm.s32 $0x1BF5;
	[smem:$0x3FB5] =	sst s0  }
0x18: {  	s0 =	sld [smem:$0x3F98];
	_ =	swait.ge [sflag:s4], $0x0  }
0x19: {  	s7 =	sld [smem:$0x3F99]  }
0x1a: {  	s8 =	sadd.s32 $0xFFFFE003, lr  }
0x1b: {  	s9 =	sadd.s32 $0xFFFFFEF7, lr;
	s5 =	simm.s32 $0xFFFFFFFF;
	p2 =	slt.u32 s8, $0xFFFFF086  }
0x1c: {  	p1 =	slt.u32 s9, $0xF7A;
	s5 =	simm.s32 @!p2 $0x0  }
0x1d: {  	s5 =	simm.s32 @p1 $0x1;
	p0 =	seq.s32 s7, s2  }
0x1e: {  	s7 =	smul.u32 @!p0 $0xF7A, s2;
	p2 =	seq.s32 @!p0 s5, $0x0  }
0x1f: {  	s9 =	smul.u32 $0xF7A, s1;
	s8 =	simm.s32 @!p0 $0x1BF5;
	p2 =	por !p2, p0  }
0x20: {  	[sflag:s8] =	ssyncset.s32 @!p0 $0xFFFFF086;
	s6 =	sadd.s32 @!p0 s3, s7;
	s7 =	simm.s32 @!p0 $0x108  }
0x21: {  	s3 =	sadd.s32 s3, s9;
	s6 =	sadd.s32 @!p0 $0x88, s6;
	s7 =	simm.s32 @p2 $0x1082  }
0x22: {  	[simem:s7], [sflag:s8] =	dma.local @!p0 [hbm:s6], $0xF7A  }
0x23: {  	s9 =	sor.u32 $0xD0000000, s2;
	s6 =	simm.s32 $0x108;
	_ =	swait.ge @!p0 [sflag:s8], $0x0  }
0x24: {  	s3 =	sadd.s32 $0x88, s3;
	s6 =	simm.s32 @!p1 $0x1082;
	[sflag:s4] =	ssyncset.s32 $0xFFFFF086  }
0x25: {  	[simem:s6], [sflag:s4] =	dma.local [hbm:s3], $0xF7A  }
0x26: {  	[smem:$0x3F99] =	sst s1;
	(tag) =	ssettag s2;
	_ =	strace s9  }
0x27: {  	s1 =	sld [smem:$0x3FA9]  }
0x28: {  	s2 =	sld [smem:$0x3FAA]  }
0x29: {  	s4 =	sld [smem:$0x3FAC]  }
0x2a: {  	p0 =	seq.s32 s5, $0x0;
	s5 =	sld [smem:$0x3FAD]  }
0x2b: {  	s6 =	sld [smem:$0x3FAE]  }
0x2c: {  	s7 =	sld [smem:$0x3FAF]  }
0x2d: {  	s3 =	simm.s32 $0x108;
	s8 =	sld [smem:$0x3FB0]  }
0x2e: {  	s3 =	simm.s32 @!p0 $0x1082;
	s9 =	sld [smem:$0x3FB1]  }
0x2f: {  	lr =	sadd.s32 s0, s3;
	s0 =	sld [smem:$0x3FA8]  }
0x30: {  	s3 =	sld [smem:$0x3FAB]  }
0x31: {  	[smem:$0x3FB4] =	sst s10  }
0x32: {  	s10 =	sld [smem:$0x3FB2];
	_ =	sdelay $0x3  }
0x33: {  	p0 =	seq.s32 s10, $0x1;
	s10 =	sld [smem:$0x3FB4];
	_ =	sdelay $0x3  }
0x34: {  	[smem:$0x3FB4] =	sst s10  }
0x35: {  	s10 =	sld [smem:$0x3FB3];
	_ =	sdelay $0x3  }
0x36: {  	p1 =	seq.s32 s10, $0x1;
	s10 =	sld [smem:$0x3FB4];
	_ =	sdelay $0x3  }
0x37: {  	[smem:$0x3FB4] =	sst s10  }
0x38: {  	s10 =	sld [smem:$0x3FB5]  }
0x39: {  	_ = 	snop;
	(pc) =	sbr.ind lr, $3  }
0x3a: {  	_ = 	snop  }
0x3b: {  	_ = 	snop  }
0x3c: {  	p2 =	seq.s32 s10, $0x1;
	s10 =	sld [smem:$0x3FB4]  }
0x3d: {  	_ =	shalt  }
0x3e: {  	_ =	shalt  }
0x3f: {  	_ =	shalt  }
0x40: {  	_ =	shalt  }
0x41: {  	_ =	shalt  }
0x42: {  	_ =	shalt  }
0x43: {  	_ =	shalt  }
0x44: {  	_ =	shalt  }
0x45: {  	_ =	shalt  }
0x46: {  	_ =	shalt  }
0x47: {  	_ =	shalt  }
0x48: {  	_ =	shalt  }
0x49: {  	_ =	shalt  }
0x4a: {  	_ =	shalt  }
0x4b: {  	_ =	shalt  }
0x4c: {  	_ =	shalt  }
0x4d: {  	_ =	shalt  }
0x4e: {  	_ =	shalt  }
0x4f: {  	_ =	shalt  }
0x50: {  	_ =	shalt  }
0x51: {  	_ =	shalt  }
0x52: {  	_ =	shalt  }
0x53: {  	_ =	shalt  }
0x54: {  	_ =	shalt  }
0x55: {  	_ =	shalt  }
0x56: {  	_ =	shalt  }
0x57: {  	_ =	shalt  }
0x58: {  	_ =	shalt  }
0x59: {  	_ =	shalt  }
0x5a: {  	_ =	shalt  }
0x5b: {  	_ =	shalt  }
0x5c: {  	_ =	shalt  }
0x5d: {  	_ =	shalt  }
0x5e: {  	_ =	shalt  }
0x5f: {  	_ =	shalt  }
0x60: {  	_ =	shalt  }
0x61: {  	_ =	shalt  }
0x62: {  	_ =	shalt  }
0x63: {  	_ =	shalt  }
0x64: {  	_ =	shalt  }
0x65: {  	_ =	shalt  }
0x66: {  	_ =	shalt  }
0x67: {  	_ =	shalt  }
0x68: {  	_ =	shalt  }
0x69: {  	_ =	shalt  }
0x6a: {  	_ =	shalt  }
0x6b: {  	_ =	shalt  }
0x6c: {  	_ =	shalt  }
0x6d: {  	_ =	shalt  }
0x6e: {  	_ =	shalt  }
0x6f: {  	_ =	shalt  }
0x70: {  	_ =	shalt  }
0x71: {  	_ =	shalt  }
0x72: {  	_ =	shalt  }
0x73: {  	_ =	shalt  }
0x74: {  	_ =	shalt  }
0x75: {  	_ =	shalt  }
0x76: {  	_ =	shalt  }
0x77: {  	_ =	shalt  }
0x78: {  	_ =	shalt  }
0x79: {  	_ =	shalt  }
0x7a: {  	_ =	shalt  }
0x7b: {  	_ =	shalt  }
0x7c: {  	_ =	shalt  }
0x7d: {  	_ =	shalt  }
0x7e: {  	_ =	shalt  }
0x7f: {  	_ =	shalt  }
0x80: {  	_ =	shalt  }
0x81: {  	_ =	shalt  }
0x82: {  	_ =	shalt  }
0x83: {  	_ =	shalt  }
0x84: {  	_ =	shalt  }
0x85: {  	_ =	shalt  }
0x86: {  	_ =	shalt  }
0x87: {  	_ =	shalt  }
.Lfunc_end0:
.L_simem_size_0:
called_computation_lowered:
.L_overlay_start_0:
0x88: {  	s2 =	sld [smem:$0x3FD9]  }
0x89: {  	s3 =	sld [smem:$0x3FFE];
	_ =	sdelay $0x1  }
0x8a: {  	s1 =	srdreg.scid  }
0x8b: {  	s0 =	sand.u32 $0x1, s1  }
0x8c: {  	s17 =	sshll.u32 s0, $0xA;
	s2 =	sadd.s32 s3, s2  }
0x8d: {  	s2 =	sadd.s32 s2, s17  }
0x8e: {  	[smem:$0x3FC0] =	sst s2  }
0x8f: {  	_ = 	snop  }
0x90: {  	s2 =	sld [smem:$0x3FC9]  }
0x91: {  	s18 =	sld [smem:$0x3FD0];
	(tm) =	ssettm $0x1  }
0x92: {  	s4 =	sld [smem:$0x3FFB];
	_ =	sdelay $0x3  }
0x93: {  	_ =	strace s4  }
0x94: {  	s4 =	sld [smem:$0x3FFC];
	_ =	sdelay $0x3  }
0x95: {  	_ =	strace s4  }
0x96: {  	s4 =	sld [smem:$0x3FFD];
	_ =	sdelay $0x3  }
0x97: {  	_ =	strace s4  }
0x98: {  	_ =	strace $0x8FFFFFFF  }
0x99: {  	s19 =	sld [smem:$0x3FDB];
	_ =	sdelay $0x1  }
0x9a: {  	s5 =	simm.s32 $_scs_section_size  }
0x9b: {  	s6 =	simm.s32 $_size__tile_overlayer_lowered;
	s7 =	simm.s32 $_tile_overlayer_lowered  }
0x9c: {  	s22 =	simm.s32 $0x1BFF;
	s21 =	sshll.u32 s7, $0x1;
	s4 =	sadd.s32 s5, s19  }
0x9d: {  	s8 =	simm.s32 $0x0;
	s20 =	sshll.u32 s6, $0x1;
	s6 =	sadd.s32 s21, s4  }
0x9e: {  	[timem:s8], [sflag:s22] =	dma.local [hbm:s6], s20  }
0x9f: {  	_ =	swait.ge [sflag:s22], s20  }
0xa0: {  	s5 =	ssub.s32 $0x0, s20;
	[sflag:s22] =	ssyncset.done $0x0  }
0xa1: {  	[sflag:s22] =	ssyncadd.s32 s5;
	_ =	sdelay $0x1  }
0xa2: {  	s23 =	simm.s32 $0x1B8B  }
0xa3: {  	_ =	swait.ge [sflag:s23], $0x1  }
0xa4: {  	[sflag:s23] =	ssyncset.done $0x0  }
0xa5: {  	s25 =	simm.s32 $0x1B8E;
	s24 =	sld [smem:$0x3FFE];
	[sflag:s23] =	ssyncadd.s32 $0xFFFFFFFF  }
0xa6: {  	s26 =	simm.s32 $execute0_lowered;
	[smem:$0x3FD2] =	sst s25  }
0xa7: {  	s6 =	sshll.u32 s26, $0x1;
	_ =	strace $0x80000046;
	[dreg:$0x1] =	wrdreg $0xFFFFFFFF  }
0xa8: {  	s28 =	simm.s32 $_size_execute0_lowered;
	s4 =	sadd.s32 s4, s6;
	[dreg:$0x0] =	wrdreg $0x0  }
0xa9: {  	s6 =	sshll.u32 s28, $0x1;
	[dreg:$0x2] =	wrdreg s4  }
0xaa: {  	[dreg:$0x3] =	wrdreg s6  }
0xab: {  	[dreg:$0x4] =	wrdreg $0xC0  }
0xac: {  	_ =	task [dreg:s8], $0x5FFFF  }
0xad: {  	[dreg:$0x1] =	wrdreg $0xFFFFFFFF  }
0xae: {  	[dreg:$0x0] =	wrdreg $0x60  }
0xaf: {  	[dreg:$0x2] =	wrdreg s2  }
0xb0: {  	[dreg:$0x3] =	wrdreg s24  }
0xb1: {  	[dreg:$0x4] =	wrdreg s18  }
0xb2: {  	[dreg:$0x5] =	wrdreg $0xB7800  }
0xb3: {  	[dreg:$0x6] =	wrdreg $0x9  }
0xb4: {  	_ =	task.clear_ibuf [dreg:s8], $0x7FFFF;
	_ =	strace $0x90000046  }
0xb5: {  	s29 =	simm.s32 $0x9;
	_ =	strace $0x80000048  }
0xb6: {  	_ =	swait.ge [sflag:s29], $0x1  }
0xb7: {  	[sflag:s29] =	ssyncadd.s32 $0xFFFFFFFF  }
0xb8: {  	_ =	strace $0x90000048  }
0xb9: {  	_ =	sfence  }
0xba: {  	s30 =	sld [smem:$0x0];
	_ =	sdelay $0x2  }
0xbb: {  	s31 =	sshll.u32 s1, $0xD;
	s1 =	sshrl.u32 s1, $0x2  }
0xbc: {  	s3 =	sand.u32 $0x4000, s31;
	s1 =	sadd.s32 s1, s30  }
0xbd: {  	s0 =	sor.u32 s3, s0;
	s1 =	sshll.u32 s1, $0x11  }
0xbe: {  	s0 =	sor.u32 s1, s0  }
0xbf: {  	s0 =	sadd.s32 $0x8F2B, s0  }
0xc0: {  	[sflag:s0] =	ssyncadd.remote.s32 $0x1  }
0xc1: {  	_ =	sfence.sel $0xFFFF  }
0xc2: {  	[dreg:$0x0] =	wrdreg $0xFFFFFFFF;
	(pc) =	sbr.abs _section_cstart, $3  }
0xc3: {  	[dreg:$0x1] =	wrdreg $0xFFFFFFFF  }
0xc4: {  	_ =	task.clear_ibuf [dreg:s8], $0x2FFFF;
	_ =	strace $0x9FFFFFFF  }
0xc5: {  	(tm) =	ssettm $0x7FFFFFFF  }
tec
execute0_lowered:
.L_overlay_start_1:
0x0: {  	(tag) =	ssettag $0x1  }
0x1: {  	s1 =	rddreg [dreg:$0x0]  }
0x2: {  	s8 =	rddreg [dreg:$0x1]  }
0x3: {  	s2 =	srdreg.scid;
	s6 =	rddreg [dreg:$0x2]  }
0x4: {  	s0 =	stileid.u32;
	s3 =	rddreg [dreg:$0x3]  }
0x5: {  	s4 =	simm.s32 $0x0;
	s18 =	simm.s32 $0x50;
	s19 =	simm.s32 $0x6780  }
0x6: {  	s20 =	simm.s32 $0x8F80;
	s21 =	simm.s32 $0x1;
	s22 =	simm.s32 $0x2  }
0x7: {  	s23 =	simm.s32 $0x6580;
	s24 =	simm.s32 $0x0;
	s7 =	sand.u32 $0x1, s2  }
0x8: {  	s25 =	sshll.u32 s0, $0x1;
	s2 =	rddreg [dreg:$0x4];
	s10 =	smul.u32 $0x13800, s0  }
0x9: {  	[smem:$0x7FF] =	sst s4;
	s14 =	smul.u32 $0x4E000, s0;
	s15 =	sadd.s32 $0x33400, s8  }
0xa: {  	s17 =	sadd.s32 $0x138000, s3;
	p0 =	sne.s32 s0, $0xF;
	s31 =	sshll.u32 s0, $0x6  }
0xb: {  	s9 =	sor.u32 s7, s25;
	_ =	strace $0x80000047;
	s28 =	smul.u32 $0x138800, s7  }
0xc: {  	s12 =	ssub.s32 $0x2, s7;
	s5 =	smul.u32 $0x4E2, s9;
	s11 =	sshrl.u32 s10, $0x3  }
0xd: {  	s13 =	sshrl.u32 s12, $0x1;
	s9 =	sshll.u32 s9, $0xB;
	s26 =	sshrl.u32 s14, $0x2  }
0xe: {  	s14 =	sor.u32 $0x1C04, s31;
	s11 =	sadd.s32 s11, s8;
	s12 =	ssub.s32 s12, s13  }
0xf: {  	s6 =	sadd.s32 s6, s9;
	s16 =	sadd.s32 s26, s3;
	s29 =	sadd.s32 s10, s28  }
0x10: {  	s30 =	sshrl.u32 s28, $0x3;
	s13 =	simm.s32 $0x4;
	s5 =	sadd.s32 s5, s8  }
0x11: {  	s7 =	sadd.s32 $0xC200, s11;
	s8 =	sadd.s32 $0x33200, s8;
	s9 =	sshrl.u32 s29, $0x3  }
0x12: {  	s10 =	sadd.s32 s15, s30;
	s11 =	smax.u32 s12, $0x1;
	s12 =	simm.s32 $0x2780  }
0x13: {  	s5 =	sadd.s32 $0x2400, s5;
	s9 =	sadd.s32 s15, s9;
	s10 =	sadd.s32 $0x27000, s10  }
0x14: {  	s15 =	sshrl.u32 s16, $0x3;
	s16 =	sshrl.u32 @!p0 s17, $0x3;
	s17 =	simm.s32 $0x3  }
.LBB2_1:
0x15: {  	[tilespmem:s4], [sflag:$0x3] =	stream.linear.gather [hbm4b:s5+s4], $0x2710, $0x38;
	[tilespmem:$0x1F000] =	vst v63  }
0x16: {  	_ = 	snop  }
0x17: {  	[tilespmem:s12], [sflag:$0x4] =	stream.linear.gather [hbm4b:s6+s4], $0x3E80, $0x38;
	[tilespmem:$0x1F000] =	vst v63  }
0x18: {  	_ =	swait.ge [sflag:s13], $0x3E80  }
0x19: {  	[sflag:s13] =	ssyncset.done $0x0  }
0x1a: {  	[sflag:s13] =	ssyncadd.s32 $0xFFFFC180  }
0x1b: {  	[spmem:s15], [sflag:s14] =	dma.local [hbm:s7], $0x2700  }
0x1c: {  	_ =	swait.ge [sflag:s13], $0x2700  }
0x1d: {  	[sflag:s13] =	ssyncset.done $0x0  }
0x1e: {  	s25 =	simm.s32 @!p0 $0x4;
	[sflag:s13] =	ssyncadd.s32 $0xFFFFD900  }
0x1f: {  	[spmem:s16], [sflag:s14] =	dma.local @!p0 [hbm:s8], $0x100  }
0x20: {  	_ =	swait.ge @!p0 [sflag:s25], $0x100  }
0x21: {  	[sflag:s25] =	ssyncset.done @!p0 $0x0  }
0x22: {  	[sflag:s25] =	ssyncadd.s32 @!p0 $0xFFFFFF00  }
0x23: {  	_ =	swait.ge [sflag:s17], $0x2710  }
0x24: {  	[sflag:s17] =	ssyncset.done $0x0  }
0x25: {  	[sflag:s17] =	ssyncadd.s32 $0xFFFFD8F0  }
0x26: {  	[bflag:$0x0] =	sbarrier.arrive $0xFFFF  }
0x27: {  	[tilespmem:s19], [sflag:$0x1] =	stream.indirect.gather [hbm4b:s1+s18], $0x80, s4, s18, $0xb8;
	[tilespmem:$0x1F000] =	vst v63  }
0x28: {  	s26 =	simm.s32 $0x50  }
0x29: {  	[tilespmem:s20], [sflag:$0x2] =	stream.indirect.gather [hbm4b:s1+s18], $0x80, s26, s18, $0xb8;
	[tilespmem:$0x1F000] =	vst v63  }
0x2a: {  	_ =	swait.ge [sflag:s21], $0x2800  }
0x2b: {  	[sflag:s21] =	ssyncset.done $0x0  }
0x2c: {  	s29 =	simm.s32 $0x2780;
	[sflag:s21] =	ssyncadd.s32 $0xFFFFD800  }
0x2d: {  	[spmem:s3] =	stream.indirect.scatter.add.f32 [tilespmem:s19], [sflag:$0x4], $0x80, s29, s18, $0xb8;
	[tilespmem:$0x1F000] =	vst v63  }
0x2e: {  	_ =	swait.ge [sflag:s13], $0x2800  }
0x2f: {  	[sflag:s13] =	ssyncset.done $0x0  }
0x30: {  	s30 =	simm.s32 $0xA0;
	[sflag:s13] =	ssyncadd.s32 $0xFFFFD800  }
0x31: {  	[tilespmem:s19], [sflag:$0x1] =	stream.indirect.gather [hbm4b:s1+s18], $0x80, s30, s18, $0xb8;
	[tilespmem:$0x1F000] =	vst v63  }
0x32: {  	_ =	swait.ge [sflag:s22], $0x2800  }
0x33: {  	[sflag:s22] =	ssyncset.done $0x0  }
0x34: {  	s31 =	simm.s32 $0x2800;
	[sflag:s22] =	ssyncadd.s32 $0xFFFFD800  }
0x35: {  	[spmem:s3] =	stream.indirect.scatter.add.f32 [tilespmem:s20], [sflag:$0x4], $0x80, s31, s18, $0xb8;
	[tilespmem:$0x1F000] =	vst v63  }
0x36: {  	s28 =	simm.s32 $0x800;
	_ =	swait.ge [sflag:s13], $0x2800  }
0x37: {  	s25 =	simm.s32 $0x140;
	s26 =	simm.s32 $0x400;
	[sflag:s13] =	ssyncset.done $0x0  }
.LBB2_2:
0x38: {  	p1 =	sne.s32 s28, $0xF400;
	s29 =	sadd.s32 $0xFFFFFFB0, s25;
	[sflag:s13] =	ssyncadd.s32 $0xFFFFD800  }
0x39: {  	[tilespmem:s20], [sflag:$0x2] =	stream.indirect.gather [hbm4b:s1+s18], $0x80, s29, s18, $0xb8;
	[tilespmem:$0x1F000] =	vst v63  }
0x3a: {  	s29 =	smov.u32 s28;
	s28 =	sadd.s32 $0x400, s28;
	_ =	swait.ge [sflag:s21], $0x2800  }
0x3b: {  	s30 =	sshra.s32 s26, $0x2;
	s26 =	smov.u32 s29;
	[sflag:s21] =	ssyncset.done $0x0  }
0x3c: {  	s29 =	sadd.s32 $0x2780, s30;
	[sflag:s21] =	ssyncadd.s32 $0xFFFFD800  }
0x3d: {  	[spmem:s3] =	stream.indirect.scatter.add.f32 [tilespmem:s19], [sflag:$0x4], $0x80, s29, s18, $0xb8;
	[tilespmem:$0x1F000] =	vst v63  }
0x3e: {  	_ =	swait.ge [sflag:s13], $0x2800  }
0x3f: {  	[sflag:s13] =	ssyncset.done $0x0  }
0x40: {  	[sflag:s13] =	ssyncadd.s32 $0xFFFFD800  }
0x41: {  	[tilespmem:s19], [sflag:$0x1] =	stream.indirect.gather [hbm4b:s1+s18], $0x80, s25, s18, $0xb8;
	[tilespmem:$0x1F000] =	vst v63  }
0x42: {  	_ =	swait.ge [sflag:s22], $0x2800  }
.Ltmp0:
0x43: {  	[sflag:s22] =	ssyncset.done $0x0;
	(pc) =	sbr.rel @p1 .LBB2_2-.Ltmp0, $4  }
0x44: {  	s29 =	sadd.s32 $0x2800, s30;
	[sflag:s22] =	ssyncadd.s32 $0xFFFFD800  }
0x45: {  	[spmem:s3] =	stream.indirect.scatter.add.f32 [tilespmem:s20], [sflag:$0x4], $0x80, s29, s18, $0xb8;
	[tilespmem:$0x1F000] =	vst v63  }
0x46: {  	_ =	swait.ge [sflag:s13], $0x2800  }
0x47: {  	s25 =	sadd.s32 $0xA0, s25;
	[sflag:s13] =	ssyncset.done $0x0  }
0x48: {  	s28 =	sadd.s32 $0xFFFFFFB0, s25;
	[sflag:s13] =	ssyncadd.s32 $0xFFFFD800  }
0x49: {  	[tilespmem:s20], [sflag:$0x2] =	stream.indirect.gather [hbm4b:s1+s18], $0x80, s28, s18, $0xb8;
	[tilespmem:$0x1F000] =	vst v63  }
0x4a: {  	_ =	swait.ge [sflag:s21], $0x2800  }
0x4b: {  	s26 =	sshra.s32 s26, $0x2;
	[sflag:s21] =	ssyncset.done $0x0  }
0x4c: {  	s30 =	sadd.s32 $0x2780, s26;
	[sflag:s21] =	ssyncadd.s32 $0xFFFFD800  }
0x4d: {  	[spmem:s3] =	stream.indirect.scatter.add.f32 [tilespmem:s19], [sflag:$0x4], $0x80, s30, s18, $0xb8;
	[tilespmem:$0x1F000] =	vst v63  }
0x4e: {  	_ =	swait.ge [sflag:s13], $0x2800  }
0x4f: {  	[sflag:s13] =	ssyncset.done $0x0  }
0x50: {  	[sflag:s13] =	ssyncadd.s32 $0xFFFFD800  }
0x51: {  	[tilespmem:s19], [sflag:$0x1] =	stream.indirect.gather [hbm4b:s1+s18], $0x80, s25, s18, $0xb8;
	[tilespmem:$0x1F000] =	vst v63  }
0x52: {  	_ =	swait.ge [sflag:s22], $0x2800  }
0x53: {  	[sflag:s22] =	ssyncset.done $0x0  }
0x54: {  	s31 =	sadd.s32 $0x2800, s26;
	[sflag:s22] =	ssyncadd.s32 $0xFFFFD800  }
0x55: {  	[spmem:s3] =	stream.indirect.scatter.add.f32 [tilespmem:s20], [sflag:$0x4], $0x80, s31, s18, $0xb8;
	[tilespmem:$0x1F000] =	vst v63  }
0x56: {  	_ =	swait.ge [sflag:s13], $0x2800  }
0x57: {  	[sflag:s13] =	ssyncset.done $0x0  }
0x58: {  	[sflag:s13] =	ssyncadd.s32 $0xFFFFD800  }
0x59: {  	_ =	swait.ge [sflag:s21], $0x2800  }
0x5a: {  	[sflag:s21] =	ssyncset.done $0x0  }
0x5b: {  	[sflag:s21] =	ssyncadd.s32 $0xFFFFD800  }
0x5c: {  	[spmem:s3] =	stream.indirect.scatter.add.f32 [tilespmem:s19], [sflag:$0x4], $0x80, s23, s18, $0xb8;
	[tilespmem:$0x1F000] =	vst v63  }
0x5d: {  	_ =	swait.ge [sflag:s13], $0x2800  }
0x5e: {  	[sflag:s13] =	ssyncset.done $0x0  }
0x5f: {  	[sflag:s13] =	ssyncadd.s32 $0xFFFFD800  }
0x60: {  	[bflag:$0x0] =	sbarrier.arrive $0xFFFF  }
0x61: {  	[hbm:s9], [sflag:s14] =	dma.local [spmem:s15], $0x2700  }
0x62: {  	s24 =	sadd.s32 $0x1, s24;
	_ =	swait.ge [sflag:s13], $0x2700  }
0x63: {  	p1 =	sne.s32 s24, s11;
	[sflag:s13] =	ssyncset.done $0x0  }
.Ltmp1:
0x64: {  	s25 =	simm.s32 @!p0 $0x4;
	[sflag:s13] =	ssyncadd.s32 $0xFFFFD900;
	(pc) =	sbr.rel @p1 .LBB2_1-.Ltmp1, $4  }
0x65: {  	[hbm:s10], [sflag:s14] =	dma.local @!p0 [spmem:s16], $0x100  }
0x66: {  	_ =	swait.ge @!p0 [sflag:s25], $0x100  }
0x67: {  	[sflag:s25] =	ssyncset.done @!p0 $0x0  }
0x68: {  	[sflag:s25] =	ssyncadd.s32 @!p0 $0xFFFFFF00  }
0x69: {  	_ =	sfence.sel $0x180000  }
0x6a: {  	[bflag:$0x0] =	sbarrier.arrive $0xFFFF  }
0x6b: {  	p0 =	sne.s32 s0, $0x0;
	_ =	strace $0x90000047  }
0x6c: {  	s0 =	sadd.s32 @!p0 $0x100000, s2;
	[bflag:$0x2] =	sbarrier.arrive $0xFFFF  }
0x6d: {  	[sflag:s0] =	ssyncadd.tile.s32 @!p0 $0x1;
	_ =	shalt  }
.Lfunc_end2:
_tile_overlayer_lowered:
.L_overlay_start_2:
0x6e: {  	(tag) =	ssettag $0x2  }
0x6f: {  	s0 =	rddreg [dreg:$0x0];
	s2 =	stileid.u32  }
0x70: {  	s1 =	rddreg [dreg:$0x1];
	p0 =	sne.s32 s2, $0x0  }
0x71: {  	s3 =	rddreg [dreg:$0x2];
	[bflag:$0x3] =	sbarrier.arrive $0xFFFF;
	s2 =	simm.s32 @!p0 $0x1C04  }
0x72: {  	[timem:s3], [sflag:s2] =	dma.local @!p0 [hbm:s0], s1  }
0x73: {  	s0 =	simm.s32 @!p0 $0x4  }
0x74: {  	_ =	swait.ge @!p0 [sflag:s0], s1  }
0x75: {  	s1 =	ssub.s32 @!p0 $0x0, s1;
	[sflag:s0] =	ssyncset.done @!p0 $0x0  }
0x76: {  	[sflag:s0] =	ssyncadd.s32 @!p0 s1  }
0x77: {  	[bflag:$0x3] =	sbarrier.arrive $0xFFFF  }
0x78: {  	_ =	shalt  }

// kernel: kernel.9.cloned.1.call-start
scs
__scs_entry_jumppad:
0x0: {  	(pc) =	sbr.rel $0x88, $3  }
0x1: {  	(tag) =	ssettag $0x0;
	lr =	simm.s32 $0x1  }
0x2: {  	[smem:$0x3F99] =	sst lr;
	_ =	strace $0xD0000000  }
0x3: {  	_ = 	snop  }
0x4: {  	_ = 	snop  }
0x5: {  	_ = 	snop  }
0x6: {  	_ = 	snop  }
0x7: {  	_ = 	snop  }
__scs_overlays_trampoline_lowered:
0x8: {  	[smem:$0x3FA8] =	sst s0  }
0x9: {  	[smem:$0x3FA9] =	sst s1  }
0xa: {  	[smem:$0x3FAA] =	sst s2  }
0xb: {  	[smem:$0x3FAB] =	sst s3  }
0xc: {  	[smem:$0x3FAC] =	sst s4  }
0xd: {  	[smem:$0x3FAD] =	sst s5  }
0xe: {  	[smem:$0x3FAE] =	sst s6  }
0xf: {  	[smem:$0x3FAF] =	sst s7  }
0x10: {  	[smem:$0x3FB0] =	sst s8  }
0x11: {  	[smem:$0x3FB1] =	sst s9;
	s0 =	simm.s32 @!p0 $0x0  }
0x12: {  	s1 =	sld [smem:$0x3F97];
	s0 =	simm.s32 @p0 $0x1  }
0x13: {  	[smem:$0x3FB2] =	sst s0;
	s0 =	simm.s32 @!p1 $0x0  }
0x14: {  	s2 =	sld [smem:$0x3F96];
	s0 =	simm.s32 @p1 $0x1  }
0x15: {  	[smem:$0x3FB3] =	sst s0;
	s0 =	simm.s32 @!p2 $0x0  }
0x16: {  	s3 =	sld [smem:$0x3FDB];
	s0 =	simm.s32 @p2 $0x1  }
0x17: {  	s4 =	simm.s32 $0x1BF5;
	[smem:$0x3FB5] =	sst s0  }
0x18: {  	s0 =	sld [smem:$0x3F98];
	_ =	swait.ge [sflag:s4], $0x0  }
0x19: {  	s7 =	sld [smem:$0x3F99]  }
0x1a: {  	s8 =	sadd.s32 $0xFFFFE003, lr  }
0x1b: {  	s9 =	sadd.s32 $0xFFFFFEF7, lr;
	s5 =	simm.s32 $0xFFFFFFFF;
	p2 =	slt.u32 s8, $0xFFFFF086  }
0x1c: {  	p1 =	slt.u32 s9, $0xF7A;
	s5 =	simm.s32 @!p2 $0x0  }
0x1d: {  	s5 =	simm.s32 @p1 $0x1;
	p0 =	seq.s32 s7, s2  }
0x1e: {  	s7 =	smul.u32 @!p0 $0xF7A, s2;
	p2 =	seq.s32 @!p0 s5, $0x0  }
0x1f: {  	s9 =	smul.u32 $0xF7A, s1;
	s8 =	simm.s32 @!p0 $0x1BF5;
	p2 =	por !p2, p0  }
0x20: {  	[sflag:s8] =	ssyncset.s32 @!p0 $0xFFFFF086;
	s6 =	sadd.s32 @!p0 s3, s7;
	s7 =	simm.s32 @!p0 $0x108  }
0x21: {  	s3 =	sadd.s32 s3, s9;
	s6 =	sadd.s32 @!p0 $0x88, s6;
	s7 =	simm.s32 @p2 $0x1082  }
0x22: {  	[simem:s7], [sflag:s8] =	dma.local @!p0 [hbm:s6], $0xF7A  }
0x23: {  	s9 =	sor.u32 $0xD0000000, s2;
	s6 =	simm.s32 $0x108;
	_ =	swait.ge @!p0 [sflag:s8], $0x0  }
0x24: {  	s3 =	sadd.s32 $0x88, s3;
	s6 =	simm.s32 @!p1 $0x1082;
	[sflag:s4] =	ssyncset.s32 $0xFFFFF086  }
0x25: {  	[simem:s6], [sflag:s4] =	dma.local [hbm:s3], $0xF7A  }
0x26: {  	[smem:$0x3F99] =	sst s1;
	(tag) =	ssettag s2;
	_ =	strace s9  }
0x27: {  	s1 =	sld [smem:$0x3FA9]  }
0x28: {  	s2 =	sld [smem:$0x3FAA]  }
0x29: {  	s4 =	sld [smem:$0x3FAC]  }
0x2a: {  	p0 =	seq.s32 s5, $0x0;
	s5 =	sld [smem:$0x3FAD]  }
0x2b: {  	s6 =	sld [smem:$0x3FAE]  }
0x2c: {  	s7 =	sld [smem:$0x3FAF]  }
0x2d: {  	s3 =	simm.s32 $0x108;
	s8 =	sld [smem:$0x3FB0]  }
0x2e: {  	s3 =	simm.s32 @!p0 $0x1082;
	s9 =	sld [smem:$0x3FB1]  }
0x2f: {  	lr =	sadd.s32 s0, s3;
	s0 =	sld [smem:$0x3FA8]  }
0x30: {  	s3 =	sld [smem:$0x3FAB]  }
0x31: {  	[smem:$0x3FB4] =	sst s10  }
0x32: {  	s10 =	sld [smem:$0x3FB2];
	_ =	sdelay $0x3  }
0x33: {  	p0 =	seq.s32 s10, $0x1;
	s10 =	sld [smem:$0x3FB4];
	_ =	sdelay $0x3  }
0x34: {  	[smem:$0x3FB4] =	sst s10  }
0x35: {  	s10 =	sld [smem:$0x3FB3];
	_ =	sdelay $0x3  }
0x36: {  	p1 =	seq.s32 s10, $0x1;
	s10 =	sld [smem:$0x3FB4];
	_ =	sdelay $0x3  }
0x37: {  	[smem:$0x3FB4] =	sst s10  }
0x38: {  	s10 =	sld [smem:$0x3FB5]  }
0x39: {  	_ = 	snop;
	(pc) =	sbr.ind lr, $3  }
0x3a: {  	_ = 	snop  }
0x3b: {  	_ = 	snop  }
0x3c: {  	p2 =	seq.s32 s10, $0x1;
	s10 =	sld [smem:$0x3FB4]  }
0x3d: {  	_ =	shalt  }
0x3e: {  	_ =	shalt  }
0x3f: {  	_ =	shalt  }
0x40: {  	_ =	shalt  }
0x41: {  	_ =	shalt  }
0x42: {  	_ =	shalt  }
0x43: {  	_ =	shalt  }
0x44: {  	_ =	shalt  }
0x45: {  	_ =	shalt  }
0x46: {  	_ =	shalt  }
0x47: {  	_ =	shalt  }
0x48: {  	_ =	shalt  }
0x49: {  	_ =	shalt  }
0x4a: {  	_ =	shalt  }
0x4b: {  	_ =	shalt  }
0x4c: {  	_ =	shalt  }
0x4d: {  	_ =	shalt  }
0x4e: {  	_ =	shalt  }
0x4f: {  	_ =	shalt  }
0x50: {  	_ =	shalt  }
0x51: {  	_ =	shalt  }
0x52: {  	_ =	shalt  }
0x53: {  	_ =	shalt  }
0x54: {  	_ =	shalt  }
0x55: {  	_ =	shalt  }
0x56: {  	_ =	shalt  }
0x57: {  	_ =	shalt  }
0x58: {  	_ =	shalt  }
0x59: {  	_ =	shalt  }
0x5a: {  	_ =	shalt  }
0x5b: {  	_ =	shalt  }
0x5c: {  	_ =	shalt  }
0x5d: {  	_ =	shalt  }
0x5e: {  	_ =	shalt  }
0x5f: {  	_ =	shalt  }
0x60: {  	_ =	shalt  }
0x61: {  	_ =	shalt  }
0x62: {  	_ =	shalt  }
0x63: {  	_ =	shalt  }
0x64: {  	_ =	shalt  }
0x65: {  	_ =	shalt  }
0x66: {  	_ =	shalt  }
0x67: {  	_ =	shalt  }
0x68: {  	_ =	shalt  }
0x69: {  	_ =	shalt  }
0x6a: {  	_ =	shalt  }
0x6b: {  	_ =	shalt  }
0x6c: {  	_ =	shalt  }
0x6d: {  	_ =	shalt  }
0x6e: {  	_ =	shalt  }
0x6f: {  	_ =	shalt  }
0x70: {  	_ =	shalt  }
0x71: {  	_ =	shalt  }
0x72: {  	_ =	shalt  }
0x73: {  	_ =	shalt  }
0x74: {  	_ =	shalt  }
0x75: {  	_ =	shalt  }
0x76: {  	_ =	shalt  }
0x77: {  	_ =	shalt  }
0x78: {  	_ =	shalt  }
0x79: {  	_ =	shalt  }
0x7a: {  	_ =	shalt  }
0x7b: {  	_ =	shalt  }
0x7c: {  	_ =	shalt  }
0x7d: {  	_ =	shalt  }
0x7e: {  	_ =	shalt  }
0x7f: {  	_ =	shalt  }
0x80: {  	_ =	shalt  }
0x81: {  	_ =	shalt  }
0x82: {  	_ =	shalt  }
0x83: {  	_ =	shalt  }
0x84: {  	_ =	shalt  }
0x85: {  	_ =	shalt  }
0x86: {  	_ =	shalt  }
0x87: {  	_ =	shalt  }
.Lfunc_end0:
.L_simem_size_0:
called_computation.1_lowered:
.L_overlay_start_0:
0x88: {  	s2 =	sld [smem:$0x3FD9]  }
0x89: {  	s3 =	sld [smem:$0x3FFE];
	_ =	sdelay $0x1  }
0x8a: {  	s1 =	srdreg.scid  }
0x8b: {  	s0 =	sand.u32 $0x1, s1  }
0x8c: {  	s17 =	sshll.u32 s0, $0xA;
	s2 =	sadd.s32 s3, s2  }
0x8d: {  	s2 =	sadd.s32 s2, s17  }
0x8e: {  	[smem:$0x3FC0] =	sst s2  }
0x8f: {  	_ = 	snop  }
0x90: {  	s2 =	sld [smem:$0x3FD0];
	(tm) =	ssettm $0x1  }
0x91: {  	s18 =	sld [smem:$0x3FFB];
	_ =	sdelay $0x3  }
0x92: {  	_ =	strace s18  }
0x93: {  	s3 =	sld [smem:$0x3FFC];
	_ =	sdelay $0x3  }
0x94: {  	_ =	strace s3  }
0x95: {  	s3 =	sld [smem:$0x3FFD];
	_ =	sdelay $0x3  }
0x96: {  	_ =	strace s3  }
0x97: {  	_ =	strace $0x8FFFFFFF  }
0x98: {  	s19 =	sld [smem:$0x3FDB];
	_ =	sdelay $0x1  }
0x99: {  	s4 =	simm.s32 $_scs_section_size  }
0x9a: {  	s5 =	simm.s32 $_size__tile_overlayer_lowered;
	s6 =	simm.s32 $_tile_overlayer_lowered  }
0x9b: {  	s22 =	simm.s32 $0x1BFF;
	s21 =	sshll.u32 s6, $0x1;
	s3 =	sadd.s32 s4, s19  }
0x9c: {  	s7 =	simm.s32 $0x0;
	s20 =	sshll.u32 s5, $0x1;
	s5 =	sadd.s32 s21, s3  }
0x9d: {  	[timem:s7], [sflag:s22] =	dma.local [hbm:s5], s20  }
0x9e: {  	_ =	swait.ge [sflag:s22], s20  }
0x9f: {  	s4 =	ssub.s32 $0x0, s20;
	[sflag:s22] =	ssyncset.done $0x0  }
0xa0: {  	[sflag:s22] =	ssyncadd.s32 s4;
	_ =	sdelay $0x1  }
0xa1: {  	s23 =	simm.s32 $0x1B8B  }
0xa2: {  	_ =	swait.ge [sflag:s23], $0x1  }
0xa3: {  	[sflag:s23] =	ssyncset.done $0x0  }
0xa4: {  	s25 =	simm.s32 $0x1B8E;
	s24 =	sld [smem:$0x3FFE];
	[sflag:s23] =	ssyncadd.s32 $0xFFFFFFFF  }
0xa5: {  	s26 =	simm.s32 $execute0_lowered;
	[smem:$0x3FD2] =	sst s25  }
0xa6: {  	s5 =	sshll.u32 s26, $0x1;
	_ =	strace $0x80000049;
	[dreg:$0x1] =	wrdreg $0xFFFFFFFF  }
0xa7: {  	s28 =	simm.s32 $_size_execute0_lowered;
	s3 =	sadd.s32 s3, s5;
	[dreg:$0x0] =	wrdreg $0x0  }
0xa8: {  	s5 =	sshll.u32 s28, $0x1;
	[dreg:$0x2] =	wrdreg s3  }
0xa9: {  	[dreg:$0x3] =	wrdreg s5  }
0xaa: {  	[dreg:$0x4] =	wrdreg $0xC0  }
0xab: {  	_ =	task [dreg:s7], $0x5FFFF  }
0xac: {  	[dreg:$0x1] =	wrdreg $0xFFFFFFFF  }
0xad: {  	[dreg:$0x0] =	wrdreg $0x60  }
0xae: {  	[dreg:$0x2] =	wrdreg s24  }
0xaf: {  	[dreg:$0x3] =	wrdreg s2  }
0xb0: {  	[dreg:$0x4] =	wrdreg $0xB7800  }
0xb1: {  	[dreg:$0x5] =	wrdreg $0x9  }
0xb2: {  	_ =	task.clear_ibuf [dreg:s7], $0x6FFFF;
	_ =	strace $0x90000049  }
0xb3: {  	s29 =	simm.s32 $0x9;
	_ =	strace $0x8000004B  }
0xb4: {  	_ =	swait.ge [sflag:s29], $0x1  }
0xb5: {  	[sflag:s29] =	ssyncadd.s32 $0xFFFFFFFF  }
0xb6: {  	_ =	strace $0x9000004B  }
0xb7: {  	_ =	sfence  }
0xb8: {  	s30 =	sld [smem:$0x0];
	_ =	sdelay $0x2  }
0xb9: {  	s31 =	sshll.u32 s1, $0xD;
	s1 =	sshrl.u32 s1, $0x2  }
0xba: {  	s3 =	sand.u32 $0x4000, s31;
	s1 =	sadd.s32 s1, s30  }
0xbb: {  	s0 =	sor.u32 s3, s0;
	s1 =	sshll.u32 s1, $0x11  }
0xbc: {  	s0 =	sor.u32 s1, s0  }
0xbd: {  	s0 =	sadd.s32 $0x8F2B, s0  }
0xbe: {  	[sflag:s0] =	ssyncadd.remote.s32 $0x1  }
0xbf: {  	_ =	sfence.sel $0xFFFF  }
0xc0: {  	[dreg:$0x0] =	wrdreg $0xFFFFFFFF;
	(pc) =	sbr.abs _section_cstart, $3  }
0xc1: {  	[dreg:$0x1] =	wrdreg $0xFFFFFFFF  }
0xc2: {  	_ =	task.clear_ibuf [dreg:s7], $0x2FFFF;
	_ =	strace $0x9FFFFFFF  }
0xc3: {  	(tm) =	ssettm $0x7FFFFFFF  }
tec
execute0_lowered:
.L_overlay_start_1:
0x0: {  	(tag) =	ssettag $0x1  }
0x1: {  	s8 =	rddreg [dreg:$0x0]  }
0x2: {  	s1 =	srdreg.scid;
	s6 =	rddreg [dreg:$0x1]  }
0x3: {  	s0 =	stileid.u32;
	s2 =	rddreg [dreg:$0x2];
	s3 =	simm.s32 $0x0  }
0x4: {  	s18 =	simm.s32 $0x50;
	s19 =	simm.s32 $0x6780;
	s20 =	simm.s32 $0x8F80  }
0x5: {  	s21 =	simm.s32 $0x1;
	s22 =	simm.s32 $0x2;
	s23 =	simm.s32 $0x6580  }
0x6: {  	s24 =	simm.s32 $0x0;
	s7 =	sand.u32 $0x1, s1;
	s1 =	rddreg [dreg:$0x3]  }
0x7: {  	s25 =	sshll.u32 s0, $0x1;
	[smem:$0x7FF] =	sst s3;
	s10 =	smul.u32 $0x13800, s0  }
0x8: {  	s4 =	sadd.s32 $0x33400, s8;
	s14 =	smul.u32 $0x4E000, s0;
	s15 =	sadd.s32 $0x5A600, s8  }
0x9: {  	s17 =	sadd.s32 $0x138000, s2;
	p0 =	sne.s32 s0, $0xF;
	s31 =	sshll.u32 s0, $0x6  }
0xa: {  	s9 =	sor.u32 s7, s25;
	_ =	strace $0x8000004A;
	s28 =	smul.u32 $0x138800, s7  }
0xb: {  	s12 =	ssub.s32 $0x2, s7;
	s5 =	smul.u32 $0x4E2, s9;
	s11 =	sshrl.u32 s10, $0x3  }
0xc: {  	s13 =	sshrl.u32 s12, $0x1;
	s9 =	sshll.u32 s9, $0xB;
	s26 =	sshrl.u32 s14, $0x2  }
0xd: {  	s14 =	sor.u32 $0x1C04, s31;
	s11 =	sadd.s32 s11, s8;
	s12 =	ssub.s32 s12, s13  }
0xe: {  	s6 =	sadd.s32 s6, s9;
	s16 =	sadd.s32 s26, s2;
	s29 =	sadd.s32 s10, s28  }
0xf: {  	s30 =	sshrl.u32 s28, $0x3;
	s13 =	simm.s32 $0x4;
	s5 =	sadd.s32 s5, s8  }
0x10: {  	s7 =	sadd.s32 $0xC200, s11;
	s8 =	sadd.s32 $0x33200, s8;
	s9 =	sshrl.u32 s29, $0x3  }
0x11: {  	s10 =	sadd.s32 s15, s30;
	s11 =	smax.u32 s12, $0x1;
	s12 =	simm.s32 $0x2780  }
0x12: {  	s5 =	sadd.s32 $0x2400, s5;
	s9 =	sadd.s32 s15, s9;
	s10 =	sadd.s32 $0x27000, s10  }
0x13: {  	s15 =	sshrl.u32 s16, $0x3;
	s16 =	sshrl.u32 @!p0 s17, $0x3;
	s17 =	simm.s32 $0x3  }
.LBB2_1:
0x14: {  	[tilespmem:s3], [sflag:$0x3] =	stream.linear.gather [hbm4b:s5+s3], $0x2710, $0x38;
	[tilespmem:$0x1F000] =	vst v63  }
0x15: {  	_ = 	snop  }
0x16: {  	[tilespmem:s12], [sflag:$0x4] =	stream.linear.gather [hbm4b:s6+s3], $0x3E80, $0x38;
	[tilespmem:$0x1F000] =	vst v63  }
0x17: {  	_ =	swait.ge [sflag:s13], $0x3E80  }
0x18: {  	[sflag:s13] =	ssyncset.done $0x0  }
0x19: {  	[sflag:s13] =	ssyncadd.s32 $0xFFFFC180  }
0x1a: {  	[spmem:s15], [sflag:s14] =	dma.local [hbm:s7], $0x2700  }
0x1b: {  	_ =	swait.ge [sflag:s13], $0x2700  }
0x1c: {  	[sflag:s13] =	ssyncset.done $0x0  }
0x1d: {  	s25 =	simm.s32 @!p0 $0x4;
	[sflag:s13] =	ssyncadd.s32 $0xFFFFD900  }
0x1e: {  	[spmem:s16], [sflag:s14] =	dma.local @!p0 [hbm:s8], $0x100  }
0x1f: {  	_ =	swait.ge @!p0 [sflag:s25], $0x100  }
0x20: {  	[sflag:s25] =	ssyncset.done @!p0 $0x0  }
0x21: {  	[sflag:s25] =	ssyncadd.s32 @!p0 $0xFFFFFF00  }
0x22: {  	_ =	swait.ge [sflag:s17], $0x2710  }
0x23: {  	[sflag:s17] =	ssyncset.done $0x0  }
0x24: {  	[sflag:s17] =	ssyncadd.s32 $0xFFFFD8F0  }
0x25: {  	[bflag:$0x0] =	sbarrier.arrive $0xFFFF  }
0x26: {  	[tilespmem:s19], [sflag:$0x1] =	stream.indirect.gather [hbm4b:s4+s18], $0x80, s3, s18, $0xb8;
	[tilespmem:$0x1F000] =	vst v63  }
0x27: {  	s26 =	simm.s32 $0x50  }
0x28: {  	[tilespmem:s20], [sflag:$0x2] =	stream.indirect.gather [hbm4b:s4+s18], $0x80, s26, s18, $0xb8;
	[tilespmem:$0x1F000] =	vst v63  }
0x29: {  	_ =	swait.ge [sflag:s21], $0x2800  }
0x2a: {  	[sflag:s21] =	ssyncset.done $0x0  }
0x2b: {  	s29 =	simm.s32 $0x2780;
	[sflag:s21] =	ssyncadd.s32 $0xFFFFD800  }
0x2c: {  	[spmem:s2] =	stream.indirect.scatter.add.f32 [tilespmem:s19], [sflag:$0x4], $0x80, s29, s18, $0xb8;
	[tilespmem:$0x1F000] =	vst v63  }
0x2d: {  	_ =	swait.ge [sflag:s13], $0x2800  }
0x2e: {  	[sflag:s13] =	ssyncset.done $0x0  }
0x2f: {  	s30 =	simm.s32 $0xA0;
	[sflag:s13] =	ssyncadd.s32 $0xFFFFD800  }
0x30: {  	[tilespmem:s19], [sflag:$0x1] =	stream.indirect.gather [hbm4b:s4+s18], $0x80, s30, s18, $0xb8;
	[tilespmem:$0x1F000] =	vst v63  }
0x31: {  	_ =	swait.ge [sflag:s22], $0x2800  }
0x32: {  	[sflag:s22] =	ssyncset.done $0x0  }
0x33: {  	s31 =	simm.s32 $0x2800;
	[sflag:s22] =	ssyncadd.s32 $0xFFFFD800  }
0x34: {  	[spmem:s2] =	stream.indirect.scatter.add.f32 [tilespmem:s20], [sflag:$0x4], $0x80, s31, s18, $0xb8;
	[tilespmem:$0x1F000] =	vst v63  }
0x35: {  	s28 =	simm.s32 $0x800;
	_ =	swait.ge [sflag:s13], $0x2800  }
0x36: {  	s25 =	simm.s32 $0x140;
	s26 =	simm.s32 $0x400;
	[sflag:s13] =	ssyncset.done $0x0  }
.LBB2_2:
0x37: {  	p1 =	sne.s32 s28, $0xF400;
	s29 =	sadd.s32 $0xFFFFFFB0, s25;
	[sflag:s13] =	ssyncadd.s32 $0xFFFFD800  }
0x38: {  	[tilespmem:s20], [sflag:$0x2] =	stream.indirect.gather [hbm4b:s4+s18], $0x80, s29, s18, $0xb8;
	[tilespmem:$0x1F000] =	vst v63  }
0x39: {  	s29 =	smov.u32 s28;
	s28 =	sadd.s32 $0x400, s28;
	_ =	swait.ge [sflag:s21], $0x2800  }
0x3a: {  	s30 =	sshra.s32 s26, $0x2;
	s26 =	smov.u32 s29;
	[sflag:s21] =	ssyncset.done $0x0  }
0x3b: {  	s29 =	sadd.s32 $0x2780, s30;
	[sflag:s21] =	ssyncadd.s32 $0xFFFFD800  }
0x3c: {  	[spmem:s2] =	stream.indirect.scatter.add.f32 [tilespmem:s19], [sflag:$0x4], $0x80, s29, s18, $0xb8;
	[tilespmem:$0x1F000] =	vst v63  }
0x3d: {  	_ =	swait.ge [sflag:s13], $0x2800  }
0x3e: {  	[sflag:s13] =	ssyncset.done $0x0  }
0x3f: {  	[sflag:s13] =	ssyncadd.s32 $0xFFFFD800  }
0x40: {  	[tilespmem:s19], [sflag:$0x1] =	stream.indirect.gather [hbm4b:s4+s18], $0x80, s25, s18, $0xb8;
	[tilespmem:$0x1F000] =	vst v63  }
0x41: {  	_ =	swait.ge [sflag:s22], $0x2800  }
.Ltmp0:
0x42: {  	[sflag:s22] =	ssyncset.done $0x0;
	(pc) =	sbr.rel @p1 .LBB2_2-.Ltmp0, $4  }
0x43: {  	s29 =	sadd.s32 $0x2800, s30;
	[sflag:s22] =	ssyncadd.s32 $0xFFFFD800  }
0x44: {  	[spmem:s2] =	stream.indirect.scatter.add.f32 [tilespmem:s20], [sflag:$0x4], $0x80, s29, s18, $0xb8;
	[tilespmem:$0x1F000] =	vst v63  }
0x45: {  	_ =	swait.ge [sflag:s13], $0x2800  }
0x46: {  	s25 =	sadd.s32 $0xA0, s25;
	[sflag:s13] =	ssyncset.done $0x0  }
0x47: {  	s28 =	sadd.s32 $0xFFFFFFB0, s25;
	[sflag:s13] =	ssyncadd.s32 $0xFFFFD800  }
0x48: {  	[tilespmem:s20], [sflag:$0x2] =	stream.indirect.gather [hbm4b:s4+s18], $0x80, s28, s18, $0xb8;
	[tilespmem:$0x1F000] =	vst v63  }
0x49: {  	_ =	swait.ge [sflag:s21], $0x2800  }
0x4a: {  	s26 =	sshra.s32 s26, $0x2;
	[sflag:s21] =	ssyncset.done $0x0  }
0x4b: {  	s30 =	sadd.s32 $0x2780, s26;
	[sflag:s21] =	ssyncadd.s32 $0xFFFFD800  }
0x4c: {  	[spmem:s2] =	stream.indirect.scatter.add.f32 [tilespmem:s19], [sflag:$0x4], $0x80, s30, s18, $0xb8;
	[tilespmem:$0x1F000] =	vst v63  }
0x4d: {  	_ =	swait.ge [sflag:s13], $0x2800  }
0x4e: {  	[sflag:s13] =	ssyncset.done $0x0  }
0x4f: {  	[sflag:s13] =	ssyncadd.s32 $0xFFFFD800  }
0x50: {  	[tilespmem:s19], [sflag:$0x1] =	stream.indirect.gather [hbm4b:s4+s18], $0x80, s25, s18, $0xb8;
	[tilespmem:$0x1F000] =	vst v63  }
0x51: {  	_ =	swait.ge [sflag:s22], $0x2800  }
0x52: {  	[sflag:s22] =	ssyncset.done $0x0  }
0x53: {  	s31 =	sadd.s32 $0x2800, s26;
	[sflag:s22] =	ssyncadd.s32 $0xFFFFD800  }
0x54: {  	[spmem:s2] =	stream.indirect.scatter.add.f32 [tilespmem:s20], [sflag:$0x4], $0x80, s31, s18, $0xb8;
	[tilespmem:$0x1F000] =	vst v63  }
0x55: {  	_ =	swait.ge [sflag:s13], $0x2800  }
0x56: {  	[sflag:s13] =	ssyncset.done $0x0  }
0x57: {  	[sflag:s13] =	ssyncadd.s32 $0xFFFFD800  }
0x58: {  	_ =	swait.ge [sflag:s21], $0x2800  }
0x59: {  	[sflag:s21] =	ssyncset.done $0x0  }
0x5a: {  	[sflag:s21] =	ssyncadd.s32 $0xFFFFD800  }
0x5b: {  	[spmem:s2] =	stream.indirect.scatter.add.f32 [tilespmem:s19], [sflag:$0x4], $0x80, s23, s18, $0xb8;
	[tilespmem:$0x1F000] =	vst v63  }
0x5c: {  	_ =	swait.ge [sflag:s13], $0x2800  }
0x5d: {  	[sflag:s13] =	ssyncset.done $0x0  }
0x5e: {  	[sflag:s13] =	ssyncadd.s32 $0xFFFFD800  }
0x5f: {  	[bflag:$0x0] =	sbarrier.arrive $0xFFFF  }
0x60: {  	[hbm:s9], [sflag:s14] =	dma.local [spmem:s15], $0x2700  }
0x61: {  	s24 =	sadd.s32 $0x1, s24;
	_ =	swait.ge [sflag:s13], $0x2700  }
0x62: {  	p1 =	sne.s32 s24, s11;
	[sflag:s13] =	ssyncset.done $0x0  }
.Ltmp1:
0x63: {  	s25 =	simm.s32 @!p0 $0x4;
	[sflag:s13] =	ssyncadd.s32 $0xFFFFD900;
	(pc) =	sbr.rel @p1 .LBB2_1-.Ltmp1, $4  }
0x64: {  	[hbm:s10], [sflag:s14] =	dma.local @!p0 [spmem:s16], $0x100  }
0x65: {  	_ =	swait.ge @!p0 [sflag:s25], $0x100  }
0x66: {  	[sflag:s25] =	ssyncset.done @!p0 $0x0  }
0x67: {  	[sflag:s25] =	ssyncadd.s32 @!p0 $0xFFFFFF00  }
0x68: {  	_ =	sfence.sel $0x180000  }
0x69: {  	[bflag:$0x0] =	sbarrier.arrive $0xFFFF  }
0x6a: {  	p0 =	sne.s32 s0, $0x0;
	_ =	strace $0x9000004A  }
0x6b: {  	s0 =	sadd.s32 @!p0 $0x100000, s1;
	[bflag:$0x2] =	sbarrier.arrive $0xFFFF  }
0x6c: {  	[sflag:s0] =	ssyncadd.tile.s32 @!p0 $0x1;
	_ =	shalt  }
.Lfunc_end2:
_tile_overlayer_lowered:
.L_overlay_start_2:
0x6d: {  	(tag) =	ssettag $0x2  }
0x6e: {  	s0 =	rddreg [dreg:$0x0];
	s2 =	stileid.u32  }
0x6f: {  	s1 =	rddreg [dreg:$0x1];
	p0 =	sne.s32 s2, $0x0  }
0x70: {  	s3 =	rddreg [dreg:$0x2];
	[bflag:$0x3] =	sbarrier.arrive $0xFFFF;
	s2 =	simm.s32 @!p0 $0x1C04  }
0x71: {  	[timem:s3], [sflag:s2] =	dma.local @!p0 [hbm:s0], s1  }
0x72: {  	s0 =	simm.s32 @!p0 $0x4  }
0x73: {  	_ =	swait.ge @!p0 [sflag:s0], s1  }
0x74: {  	s1 =	ssub.s32 @!p0 $0x0, s1;
	[sflag:s0] =	ssyncset.done @!p0 $0x0  }
0x75: {  	[sflag:s0] =	ssyncadd.s32 @!p0 s1  }
0x76: {  	[bflag:$0x3] =	sbarrier.arrive $0xFFFF  }
0x77: {  	_ =	shalt  }

</sc_bundles>
